<compile_context>
chip_gen: v7x
topology: tpu7x:2x2x1
jax: 0.10.2.dev20260603
libtpu: 0.0.44.dev20260713+nightly
codegen_flags: <defaults>
</compile_context>

<pallas_src>
import jax
import jax.numpy as jnp
from jax import lax
from jax.experimental import pallas as pl
from jax.experimental.pallas import tpu as pltpu
from jax.experimental.pallas import tpu_sc as plsc

D = 1024
F = 512
SF = 1024
E = 16
G = 4
GSZ = E // G
T = 2048
K = 2
SCALE = 2.5
BLK = 256
SBLK = 256
NBMAX = E + (K * T) // BLK
NPAD = NBMAX * BLK
NEG = -1e30

NC, NS = 2, 16
NW = NC * NS
CH = T // NW

_HI = jax.lax.Precision.HIGHEST


def _tcol(row):
    n = row.shape[1]
    r = lax.broadcasted_iota(jnp.int32, (n, n), 0)
    c = lax.broadcasted_iota(jnp.int32, (n, n), 1)
    eye = (r == c).astype(jnp.float32)
    return lax.dot_general(eye, row, (((1,), (1,)), ((), ())), precision=_HI)


def _meta_body(idx_ref, w_ref, wcol_ref, dcol_ref, meta_ref):
    lane = lax.broadcasted_iota(jnp.int32, (T, E), 1)
    m0 = lane == idx_ref[:, 0:1]
    m1 = lane == idx_ref[:, 1:2]
    w0 = w_ref[:, 0:1]
    w1 = w_ref[:, 1:2]

    onehot = (m0 | m1).astype(jnp.float32)

    c = onehot
    sh = 1
    while sh < T:
        c = c + jnp.concatenate([jnp.zeros((sh, E), jnp.float32), c[:-sh]], axis=0)
        sh *= 2
    pos = c - onehot
    counts = c[T - 1:T, :]

    nb = jnp.floor((counts + (BLK - 1)) * (1.0 / BLK))
    up = lax.broadcasted_iota(jnp.int32, (E, E), 0)
    lo = lax.broadcasted_iota(jnp.int32, (E, E), 1)
    strict = (up < lo).astype(jnp.float32)
    bstart = lax.dot_general(nb, strict, (((1,), (0,)), ((), ())), precision=_HI)
    nbtot = jnp.sum(nb, axis=1, keepdims=True)

    dstv = pos + BLK * bstart
    d0 = jnp.sum(jnp.where(m0, dstv, 0.0), axis=1, keepdims=True)
    d1 = jnp.sum(jnp.where(m1, dstv, 0.0), axis=1, keepdims=True)

    l128 = lax.broadcasted_iota(jnp.int32, (T, 128), 1)
    wcol_ref[...] = (jnp.where(l128 == 0, w0, 0.0)
                     + jnp.where(l128 == 1, w1, 0.0))
    dcol_ref[...] = (jnp.where(l128 == 0, d0, 0.0)
                     + jnp.where(l128 == 1, d1, 0.0)).astype(jnp.int32)

    bi = lax.broadcasted_iota(jnp.int32, (1, 128), 1).astype(jnp.float32)
    iclamp = jnp.minimum(bi, nbtot - 1.0)
    bstart_col = _tcol(bstart)
    be = jnp.sum((iclamp >= bstart_col).astype(jnp.float32),
                 axis=0, keepdims=True) - 1.0
    meta_ref[...] = jnp.concatenate(
        [be, iclamp, jnp.zeros((6, 128), jnp.float32)], axis=0).astype(jnp.int32)


def _meta(idx, w):
    return pl.pallas_call(
        _meta_body,
        out_shape=[
            jax.ShapeDtypeStruct((T, 128), jnp.float32),
            jax.ShapeDtypeStruct((T, 128), jnp.int32),
            jax.ShapeDtypeStruct((8, 128), jnp.int32),
        ],
    )(idx, w)


def _router_body(x_ref, gw_ref, gb_ref, wcol_ref, dcol_ref, meta_ref):
    x = x_ref[...]
    gw = gw_ref[...]
    gb = gb_ref[...]
    logits = lax.dot_general(x, gw, (((1,), (1,)), ((), ())), precision=_HI)
    scores = jax.nn.sigmoid(logits)
    s4 = scores + gb

    lane = lax.broadcasted_iota(jnp.int32, (T, E), 1)
    gid = lane // GSZ

    gs16 = jnp.zeros((T, E), jnp.float32)
    for g in range(G):
        m = gid == g
        a = jnp.where(m, s4, NEG)
        v1 = jnp.max(a, axis=1, keepdims=True)
        idx1 = jnp.min(jnp.where(a == v1, lane, E + 1), axis=1, keepdims=True)
        a2 = jnp.where(lane == idx1, NEG, a)
        v2 = jnp.max(a2, axis=1, keepdims=True)
        gs16 = jnp.where(m, v1 + v2, gs16)

    gmax1 = jnp.max(gs16, axis=1, keepdims=True)
    g1 = jnp.min(jnp.where(gs16 == gmax1, gid, G + 1), axis=1, keepdims=True)
    rest = jnp.where(gid == g1, NEG, gs16)
    gmax2 = jnp.max(rest, axis=1, keepdims=True)
    g2 = jnp.min(jnp.where(rest == gmax2, gid, G + 1), axis=1, keepdims=True)
    allowed = (gid == g1) | (gid == g2)

    ms = jnp.where(allowed, s4, NEG)
    v1 = jnp.max(ms, axis=1, keepdims=True)
    e1 = jnp.min(jnp.where(ms == v1, lane, E + 1), axis=1, keepdims=True)
    m0 = lane == e1
    ms2 = jnp.where(m0, NEG, ms)
    v2 = jnp.max(ms2, axis=1, keepdims=True)
    e2 = jnp.min(jnp.where(ms2 == v2, lane, E + 1), axis=1, keepdims=True)
    m1 = lane == e2

    w0 = jnp.sum(jnp.where(m0, scores, 0.0), axis=1, keepdims=True)
    w1 = jnp.sum(jnp.where(m1, scores, 0.0), axis=1, keepdims=True)
    den = w0 + w1 + 1e-6
    w0 = w0 / den * SCALE
    w1 = w1 / den * SCALE

    onehot = (m0 | m1).astype(jnp.float32)

    c = onehot
    sh = 1
    while sh < T:
        c = c + jnp.concatenate([jnp.zeros((sh, E), jnp.float32), c[:-sh]], axis=0)
        sh *= 2
    pos = c - onehot
    counts = c[T - 1:T, :]

    nb = jnp.floor((counts + (BLK - 1)) * (1.0 / BLK))
    up = lax.broadcasted_iota(jnp.int32, (E, E), 0)
    lo = lax.broadcasted_iota(jnp.int32, (E, E), 1)
    strict = (up < lo).astype(jnp.float32)
    bstart = lax.dot_general(nb, strict, (((1,), (0,)), ((), ())), precision=_HI)
    nbtot = jnp.sum(nb, axis=1, keepdims=True)

    dstv = pos + BLK * bstart
    d0 = jnp.sum(jnp.where(m0, dstv, 0.0), axis=1, keepdims=True)
    d1 = jnp.sum(jnp.where(m1, dstv, 0.0), axis=1, keepdims=True)

    l128 = lax.broadcasted_iota(jnp.int32, (T, 128), 1)
    wcol_ref[...] = (jnp.where(l128 == 0, w0, 0.0)
                     + jnp.where(l128 == 1, w1, 0.0))
    dcol_ref[...] = (jnp.where(l128 == 0, d0, 0.0)
                     + jnp.where(l128 == 1, d1, 0.0)).astype(jnp.int32)

    bi = lax.broadcasted_iota(jnp.int32, (1, 128), 1).astype(jnp.float32)
    iclamp = jnp.minimum(bi, nbtot - 1.0)
    bstart_col = _tcol(bstart)
    be = jnp.sum((iclamp >= bstart_col).astype(jnp.float32),
                 axis=0, keepdims=True) - 1.0
    meta_ref[...] = jnp.concatenate(
        [be, iclamp, jnp.zeros((6, 128), jnp.float32)], axis=0).astype(jnp.int32)


def _router(x, gw, gb):
    return pl.pallas_call(
        _router_body,
        out_shape=[
            jax.ShapeDtypeStruct((T, 128), jnp.float32),
            jax.ShapeDtypeStruct((T, 128), jnp.int32),
            jax.ShapeDtypeStruct((8, 128), jnp.int32),
        ],
    )(x, gw, gb)


def _dispatch_body(x_hbm, d0_hbm, d1_hbm, xs_hbm, idx_v, rows_v, sem):
    wid = lax.axis_index("s") * NC + lax.axis_index("c")
    base = wid * CH
    pltpu.sync_copy(x_hbm.at[pl.ds(base, CH)], rows_v)
    pltpu.sync_copy(d0_hbm.at[pl.ds(base, CH)], idx_v)
    pltpu.async_copy(rows_v, xs_hbm.at[idx_v], sem).wait()
    pltpu.sync_copy(d1_hbm.at[pl.ds(base, CH)], idx_v)
    pltpu.async_copy(rows_v, xs_hbm.at[idx_v], sem).wait()


def _dispatch(x, d0, d1):
    f = pl.kernel(
        _dispatch_body,
        mesh=plsc.VectorSubcoreMesh(core_axis_name="c", subcore_axis_name="s"),
        out_type=jax.ShapeDtypeStruct((NPAD, D), jnp.float32),
        scratch_types=[
            pltpu.VMEM((CH,), jnp.int32),
            pltpu.VMEM((CH, D), jnp.float32),
            pltpu.SemaphoreType.DMA,
        ],
    )
    return f(x, d0, d1)


def _gather_body(ys_hbm, d0_hbm, d1_hbm, r0_hbm, r1_hbm, idx_v, rows_v, sem):
    wid = lax.axis_index("s") * NC + lax.axis_index("c")
    base = wid * CH
    pltpu.sync_copy(d0_hbm.at[pl.ds(base, CH)], idx_v)
    pltpu.async_copy(ys_hbm.at[idx_v], rows_v, sem).wait()
    pltpu.sync_copy(rows_v, r0_hbm.at[pl.ds(base, CH)])
    pltpu.sync_copy(d1_hbm.at[pl.ds(base, CH)], idx_v)
    pltpu.async_copy(ys_hbm.at[idx_v], rows_v, sem).wait()
    pltpu.sync_copy(rows_v, r1_hbm.at[pl.ds(base, CH)])


def _gather(ys, d0, d1):
    f = pl.kernel(
        _gather_body,
        mesh=plsc.VectorSubcoreMesh(core_axis_name="c", subcore_axis_name="s"),
        out_type=[
            jax.ShapeDtypeStruct((T, D), jnp.float32),
            jax.ShapeDtypeStruct((T, D), jnp.float32),
        ],
        scratch_types=[
            pltpu.VMEM((CH,), jnp.int32),
            pltpu.VMEM((CH, D), jnp.float32),
            pltpu.SemaphoreType.DMA,
        ],
    )
    return f(ys, d0, d1)


def _gemm_body(be_ref, xr_ref, xs_ref, w1_ref, w3_ref, w2_ref, ys_ref):
    xb = xs_ref[...]
    h1 = lax.dot_general(xb, w1_ref[0], (((1,), (1,)), ((), ())),
                         preferred_element_type=jnp.float32)
    h3 = lax.dot_general(xb, w3_ref[0], (((1,), (1,)), ((), ())),
                         preferred_element_type=jnp.float32)
    g = (h1 * jax.nn.sigmoid(h1) * h3).astype(jnp.bfloat16)
    ys_ref[...] = lax.dot_general(g, w2_ref[0], (((1,), (1,)), ((), ())),
                                  preferred_element_type=jnp.float32)


def _gemm(be, xr, xs, w1, w3, w2):
    grid_spec = pltpu.PrefetchScalarGridSpec(
        num_scalar_prefetch=2,
        grid=(NBMAX,),
        in_specs=[
            pl.BlockSpec((BLK, D), lambda i, be, xr: (xr[i], 0)),
            pl.BlockSpec((1, F, D), lambda i, be, xr: (be[i], 0, 0)),
            pl.BlockSpec((1, F, D), lambda i, be, xr: (be[i], 0, 0)),
            pl.BlockSpec((1, D, F), lambda i, be, xr: (be[i], 0, 0)),
        ],
        out_specs=pl.BlockSpec((BLK, D), lambda i, be, xr: (xr[i], 0)),
    )
    return pl.pallas_call(
        _gemm_body,
        grid_spec=grid_spec,
        out_shape=jax.ShapeDtypeStruct((NPAD, D), jnp.float32),
    )(be, xr, xs, w1, w3, w2)


def _shared_body(x_ref, sw1_ref, sw3_ref, sw2_ref, r0_ref, r1_ref, wc_ref, o_ref):
    xb = x_ref[...]
    h1 = lax.dot_general(xb, sw1_ref[...], (((1,), (1,)), ((), ())),
                         preferred_element_type=jnp.float32)
    h3 = lax.dot_general(xb, sw3_ref[...], (((1,), (1,)), ((), ())),
                         preferred_element_type=jnp.float32)
    g = (h1 * jax.nn.sigmoid(h1) * h3).astype(jnp.bfloat16)
    y = lax.dot_general(g, sw2_ref[...], (((1,), (1,)), ((), ())),
                        preferred_element_type=jnp.float32)
    o_ref[...] = (y + wc_ref[:, 0:1] * r0_ref[...]
                  + wc_ref[:, 1:2] * r1_ref[...])


def _shared(x, sw1, sw3, sw2, r0, r1, wcol):
    nblk = T // SBLK
    return pl.pallas_call(
        _shared_body,
        grid=(nblk,),
        in_specs=[
            pl.BlockSpec((SBLK, D), lambda i: (i, 0)),
            pl.BlockSpec((SF, D), lambda i: (0, 0)),
            pl.BlockSpec((SF, D), lambda i: (0, 0)),
            pl.BlockSpec((D, SF), lambda i: (0, 0)),
            pl.BlockSpec((SBLK, D), lambda i: (i, 0)),
            pl.BlockSpec((SBLK, D), lambda i: (i, 0)),
            pl.BlockSpec((SBLK, 128), lambda i: (i, 0)),
        ],
        out_specs=pl.BlockSpec((SBLK, D), lambda i: (i, 0)),
        out_shape=jax.ShapeDtypeStruct((T, D), jnp.float32),
    )(x, sw1, sw3, sw2, r0, r1, wcol)


def kernel(hidden_states, gate_weight, gate_bias, w1, w3, w2, sw1, sw3, sw2):
    shape = hidden_states.shape
    x = hidden_states.reshape(-1, D)

    logits = x @ gate_weight.T
    scores = jax.nn.sigmoid(logits)
    scores_for_topk = scores + gate_bias
    scores_view = scores_for_topk.reshape(T, G, -1)
    group_scores = lax.top_k(scores_view, 2)[0].sum(axis=-1)
    group_idx = lax.top_k(group_scores, 2)[1]
    gi = jnp.arange(G)[None, :]
    mask = (gi != group_idx[:, 0:1]) & (gi != group_idx[:, 1:2])
    masked = jnp.where(mask[:, :, None], -jnp.inf, scores_view).reshape(T, E)
    _, indices = lax.top_k(masked, K)
    weights = jnp.take_along_axis(scores, indices, axis=1)
    weights = weights / (weights.sum(axis=-1, keepdims=True) + 1e-6)
    weights = weights * SCALE

    wcol, dcol, meta = _meta(indices.astype(jnp.int32), weights)
    be = meta[0, :NBMAX]
    xr = meta[1, :NBMAX]
    d0 = dcol[:, 0]
    d1 = dcol[:, 1]

    xs = _dispatch(x, d0, d1)
    ys = _gemm(be, xr, xs, w1, w3, w2)
    r0, r1 = _gather(ys, d0, d1)
    out = _shared(x, sw1, sw3, sw2, r0, r1, wcol)
    return out.reshape(shape)

# --- scband reference (transcript-rebuilt; emitter-appended) ---
"""Pipeline reference for scband-mini-deep-seek-v3-mo-e-67370857005273 (READ-ONLY COPY).

The authoritative reference and input builder live on the scoring server;
editing this copy changes nothing except your own understanding.
"""

import jax, jax.numpy as jnp
import numpy as np

D_MODEL = 1024
D_FF = 512
N_EXPERTS = 16
TOP_K = 2
N_GROUPS = 4
TOPK_GROUPS = 2
ROUTE_SCALE = 2.5
SHARED_FF = 2 * D_FF  # n_shared_experts * moe_intermediate_size


def swiglu(x, w1, w3, w2):
    # SwiGLUFFN: w2(silu(w1(x)) * w3(x))
    return (jax.nn.silu(x @ w1.T) * (x @ w3.T)) @ w2.T


def setup_inputs(seed: int = 0) -> dict:
    key = jax.random.key(seed)
    ks = jax.random.split(key, 9)
    inp = {
        "hidden_states": jax.random.normal(ks[0], (1, 2048, D_MODEL), dtype=jnp.float32),
        "gate_weight": jax.random.normal(ks[1], (N_EXPERTS, D_MODEL), dtype=jnp.float32) * (1.0 / np.sqrt(D_MODEL)),
        "gate_bias": jnp.zeros((N_EXPERTS,), dtype=jnp.float32),
        "w1": jax.random.normal(ks[2], (N_EXPERTS, D_FF, D_MODEL), dtype=jnp.float32) * 0.02,
        "w3": jax.random.normal(ks[3], (N_EXPERTS, D_FF, D_MODEL), dtype=jnp.float32) * 0.02,
        "w2": jax.random.normal(ks[4], (N_EXPERTS, D_MODEL, D_FF), dtype=jnp.float32) * 0.02,
        "sw1": jax.random.normal(ks[5], (SHARED_FF, D_MODEL), dtype=jnp.float32) * 0.02,
        "sw3": jax.random.normal(ks[6], (SHARED_FF, D_MODEL), dtype=jnp.float32) * 0.02,
        "sw2": jax.random.normal(ks[7], (D_MODEL, SHARED_FF), dtype=jnp.float32) * 0.02,
    }
    return inp


def reference(hidden_states, gate_weight, gate_bias, w1, w3, w2, sw1, sw3, sw2):
    shape = hidden_states.shape
    x = hidden_states.reshape(-1, D_MODEL)
    T = x.shape[0]
    # ----- Gate (eval mode, use_noaux_load_balance=True) -----
    logits = x @ gate_weight.T
    scores = jax.nn.sigmoid(logits)  # original_scores
    scores_for_topk = scores + gate_bias
    # group routing
    scores_view = scores_for_topk.reshape(T, N_GROUPS, -1)
    group_scores = jax.lax.top_k(scores_view, 2)[0].sum(axis=-1)
    group_idx = jax.lax.top_k(group_scores, TOPK_GROUPS)[1]
    mask = jnp.ones((T, N_GROUPS), dtype=bool)
    mask = mask.at[jnp.arange(T)[:, None], group_idx].set(False)
    masked = jnp.where(mask[:, :, None], -jnp.inf, scores_view).reshape(T, N_EXPERTS)
    _, indices = jax.lax.top_k(masked, TOP_K)
    weights = jnp.take_along_axis(scores, indices, axis=1)
    weights = weights / (weights.sum(axis=-1, keepdims=True) + 1e-6)
    weights = weights * ROUTE_SCALE
    # ----- Routed experts (dense equivalent of sparse dispatch: tokens not routed to
    # expert i have combine weight exactly 0, so the math matches the torch loop) -----
    routed = jnp.zeros_like(x)
    for i in range(N_EXPERTS):
        gate_i = (weights * (indices == i).astype(weights.dtype)).sum(axis=-1)
        routed = routed + swiglu(x, w1[i], w3[i], w2[i]) * gate_i[:, None]
    # ----- Shared experts -----
    shared_out = swiglu(x, sw1, sw3, sw2)
    return (routed + shared_out).reshape(shape)

if __name__ == "__main__":
    import jax
    _d = setup_inputs()
    print(jax.jit(kernel)(*tuple(_d.values())))

</pallas_src>

<mosaic_0001>
#map = affine_map<(d0, d1) -> (0, 0)>
#map1 = affine_map<(d0, d1) -> (0)>
module attributes {stable_mosaic.version = 14 : i64} {
  func.func @_dispatch_body(%arg0: i32, %arg1: i32, %arg2: memref<2048x1024xf32, #tpu.memory_space<hbm>>, %arg3: memref<2048xi32, #tpu.memory_space<hbm>>, %arg4: memref<2048xi32, #tpu.memory_space<hbm>>, %arg5: memref<8192x1024xf32, #tpu.memory_space<hbm>>, %arg6: memref<64xi32, #tpu.memory_space<vmem>>, %arg7: memref<64x1024xf32, #tpu.memory_space<vmem>>, %arg8: memref<!tpu.dma_semaphore, #tpu.memory_space<semaphore_mem>>) attributes {dimension_semantics = [#tpu.dimension_semantics<core_parallel>, #tpu.dimension_semantics<subcore_parallel>], iteration_bounds = array<i64: 2, 16>, scalar_prefetch = 0 : i64, scratch_operands = 3 : i64, tpu.core_type = #tpu.core_type<sc_vector_subcore>, window_params = [{transform_indices = #map}, {transform_indices = #map1}, {transform_indices = #map1}, {transform_indices = #map}]} {
    %mul3A = arith.constant 2 : i32
    %mul3A_0 = arith.muli %arg1, %mul3A : i32
    %add3A = arith.addi %mul3A_0, %arg0 : i32
    %mul3A_1 = arith.constant 64 : i32
    %mul3A_2 = arith.muli %add3A, %mul3A_1 : i32
    "tpu.region"() ({
      %run_scoped3A = tpu.sem_alloc : memref<!tpu.dma_semaphore, #tpu.memory_space<semaphore_mem>>
      %dma_start3A_13 = arith.constant 0 : i32
      %dma_start3A_14 = tpu.memref_slice %arg2[%mul3A_2, %dma_start3A_13] : memref<2048x1024xf32, #tpu.memory_space<hbm>> -> memref<64x1024xf32, #tpu.memory_space<hbm>>
      %dma_start3A_15 = arith.constant 0 : i32
      %dma_start3A_16 = tpu.memref_slice %arg2[%mul3A_2, %dma_start3A_15] : memref<2048x1024xf32, #tpu.memory_space<hbm>> -> memref<64x1024xf32, #tpu.memory_space<hbm>>
      tpu.enqueue_dma source(%dma_start3A_16 : memref<64x1024xf32, #tpu.memory_space<hbm>>) target(%arg7 : memref<64x1024xf32, #tpu.memory_space<vmem>>) target_semaphore(%run_scoped3A : memref<!tpu.dma_semaphore, #tpu.memory_space<semaphore_mem>>)
      %dma_wait3A_17 = arith.constant 0 : i32
      %dma_wait3A_18 = tpu.memref_slice %arg2[%mul3A_2, %dma_wait3A_17] : memref<2048x1024xf32, #tpu.memory_space<hbm>> -> memref<64x1024xf32, #tpu.memory_space<hbm>>
      %dma_wait3A_19 = arith.constant 0 : i32
      %dma_wait3A_20 = tpu.memref_slice %arg2[%mul3A_2, %dma_wait3A_19] : memref<2048x1024xf32, #tpu.memory_space<hbm>> -> memref<64x1024xf32, #tpu.memory_space<hbm>>
      tpu.wait_dma2 semaphore(%run_scoped3A : memref<!tpu.dma_semaphore, #tpu.memory_space<semaphore_mem>>) src(%dma_wait3A_20 : memref<64x1024xf32, #tpu.memory_space<hbm>>) dst(%arg7 : memref<64x1024xf32, #tpu.memory_space<vmem>>)
      tpu.yield
    }) : () -> ()
    "tpu.region"() ({
      %run_scoped3A = tpu.sem_alloc : memref<!tpu.dma_semaphore, #tpu.memory_space<semaphore_mem>>
      %dma_start3A_13 = tpu.memref_slice %arg3[%mul3A_2] : memref<2048xi32, #tpu.memory_space<hbm>> -> memref<64xi32, #tpu.memory_space<hbm>>
      %dma_start3A_14 = tpu.memref_slice %arg3[%mul3A_2] : memref<2048xi32, #tpu.memory_space<hbm>> -> memref<64xi32, #tpu.memory_space<hbm>>
      tpu.enqueue_dma source(%dma_start3A_14 : memref<64xi32, #tpu.memory_space<hbm>>) target(%arg6 : memref<64xi32, #tpu.memory_space<vmem>>) target_semaphore(%run_scoped3A : memref<!tpu.dma_semaphore, #tpu.memory_space<semaphore_mem>>)
      %dma_wait3A_15 = tpu.memref_slice %arg3[%mul3A_2] : memref<2048xi32, #tpu.memory_space<hbm>> -> memref<64xi32, #tpu.memory_space<hbm>>
      %dma_wait3A_16 = tpu.memref_slice %arg3[%mul3A_2] : memref<2048xi32, #tpu.memory_space<hbm>> -> memref<64xi32, #tpu.memory_space<hbm>>
      tpu.wait_dma2 semaphore(%run_scoped3A : memref<!tpu.dma_semaphore, #tpu.memory_space<semaphore_mem>>) src(%dma_wait3A_16 : memref<64xi32, #tpu.memory_space<hbm>>) dst(%arg6 : memref<64xi32, #tpu.memory_space<vmem>>)
      tpu.yield
    }) : () -> ()
    %dma_start3A = arith.constant 0 : i32
    %dma_start3A_3 = arith.constant 0 : i32
    %dma_start3A_4 = tpu.memref_slice %arg5[%dma_start3A, %dma_start3A_3] : memref<8192x1024xf32, #tpu.memory_space<hbm>> -> memref<8192x1024xf32, #tpu.memory_space<hbm>>
    tpu.enqueue_indirect_dma source(%arg7 : memref<64x1024xf32, #tpu.memory_space<vmem>>) target(%dma_start3A_4 : memref<8192x1024xf32, #tpu.memory_space<hbm>>) offsets(%arg6 : memref<64xi32, #tpu.memory_space<vmem>>) semaphore(%arg8 : memref<!tpu.dma_semaphore, #tpu.memory_space<semaphore_mem>>)
    %dma_wait3A = arith.constant 0 : i32
    %dma_wait3A_5 = arith.constant 0 : i32
    %dma_wait3A_6 = tpu.memref_slice %arg5[%dma_wait3A, %dma_wait3A_5] : memref<8192x1024xf32, #tpu.memory_space<hbm>> -> memref<8192x1024xf32, #tpu.memory_space<hbm>>
    tpu.wait_indirect_dma semaphore(%arg8 : memref<!tpu.dma_semaphore, #tpu.memory_space<semaphore_mem>>) src(%arg7 : memref<64x1024xf32, #tpu.memory_space<vmem>>) dst(%dma_wait3A_6 : memref<8192x1024xf32, #tpu.memory_space<hbm>>)
    "tpu.region"() ({
      %run_scoped3A = tpu.sem_alloc : memref<!tpu.dma_semaphore, #tpu.memory_space<semaphore_mem>>
      %dma_start3A_13 = tpu.memref_slice %arg4[%mul3A_2] : memref<2048xi32, #tpu.memory_space<hbm>> -> memref<64xi32, #tpu.memory_space<hbm>>
      %dma_start3A_14 = tpu.memref_slice %arg4[%mul3A_2] : memref<2048xi32, #tpu.memory_space<hbm>> -> memref<64xi32, #tpu.memory_space<hbm>>
      tpu.enqueue_dma source(%dma_start3A_14 : memref<64xi32, #tpu.memory_space<hbm>>) target(%arg6 : memref<64xi32, #tpu.memory_space<vmem>>) target_semaphore(%run_scoped3A : memref<!tpu.dma_semaphore, #tpu.memory_space<semaphore_mem>>)
      %dma_wait3A_15 = tpu.memref_slice %arg4[%mul3A_2] : memref<2048xi32, #tpu.memory_space<hbm>> -> memref<64xi32, #tpu.memory_space<hbm>>
      %dma_wait3A_16 = tpu.memref_slice %arg4[%mul3A_2] : memref<2048xi32, #tpu.memory_space<hbm>> -> memref<64xi32, #tpu.memory_space<hbm>>
      tpu.wait_dma2 semaphore(%run_scoped3A : memref<!tpu.dma_semaphore, #tpu.memory_space<semaphore_mem>>) src(%dma_wait3A_16 : memref<64xi32, #tpu.memory_space<hbm>>) dst(%arg6 : memref<64xi32, #tpu.memory_space<vmem>>)
      tpu.yield
    }) : () -> ()
    %dma_start3A_7 = arith.constant 0 : i32
    %dma_start3A_8 = arith.constant 0 : i32
    %dma_start3A_9 = tpu.memref_slice %arg5[%dma_start3A_7, %dma_start3A_8] : memref<8192x1024xf32, #tpu.memory_space<hbm>> -> memref<8192x1024xf32, #tpu.memory_space<hbm>>
    tpu.enqueue_indirect_dma source(%arg7 : memref<64x1024xf32, #tpu.memory_space<vmem>>) target(%dma_start3A_9 : memref<8192x1024xf32, #tpu.memory_space<hbm>>) offsets(%arg6 : memref<64xi32, #tpu.memory_space<vmem>>) semaphore(%arg8 : memref<!tpu.dma_semaphore, #tpu.memory_space<semaphore_mem>>)
    %dma_wait3A_10 = arith.constant 0 : i32
    %dma_wait3A_11 = arith.constant 0 : i32
    %dma_wait3A_12 = tpu.memref_slice %arg5[%dma_wait3A_10, %dma_wait3A_11] : memref<8192x1024xf32, #tpu.memory_space<hbm>> -> memref<8192x1024xf32, #tpu.memory_space<hbm>>
    tpu.wait_indirect_dma semaphore(%arg8 : memref<!tpu.dma_semaphore, #tpu.memory_space<semaphore_mem>>) src(%arg7 : memref<64x1024xf32, #tpu.memory_space<vmem>>) dst(%dma_wait3A_12 : memref<8192x1024xf32, #tpu.memory_space<hbm>>)
    return
  }
}

#map = affine_map<(d0, d1) -> (0, 0)>
#map1 = affine_map<(d0, d1) -> (0)>
module attributes {stable_mosaic.version = 14 : i64} {
  func.func @_gather_body(%arg0: i32, %arg1: i32, %arg2: memref<8192x1024xf32, #tpu.memory_space<hbm>>, %arg3: memref<2048xi32, #tpu.memory_space<hbm>>, %arg4: memref<2048xi32, #tpu.memory_space<hbm>>, %arg5: memref<2048x1024xf32, #tpu.memory_space<hbm>>, %arg6: memref<2048x1024xf32, #tpu.memory_space<hbm>>, %arg7: memref<64xi32, #tpu.memory_space<vmem>>, %arg8: memref<64x1024xf32, #tpu.memory_space<vmem>>, %arg9: memref<!tpu.dma_semaphore, #tpu.memory_space<semaphore_mem>>) attributes {dimension_semantics = [#tpu.dimension_semantics<core_parallel>, #tpu.dimension_semantics<subcore_parallel>], iteration_bounds = array<i64: 2, 16>, scalar_prefetch = 0 : i64, scratch_operands = 3 : i64, tpu.core_type = #tpu.core_type<sc_vector_subcore>, window_params = [{transform_indices = #map}, {transform_indices = #map1}, {transform_indices = #map1}, {transform_indices = #map}, {transform_indices = #map}]} {
    %mul3A = arith.constant 2 : i32
    %mul3A_0 = arith.muli %arg1, %mul3A : i32
    %add3A = arith.addi %mul3A_0, %arg0 : i32
    %mul3A_1 = arith.constant 64 : i32
    %mul3A_2 = arith.muli %add3A, %mul3A_1 : i32
    "tpu.region"() ({
      %run_scoped3A = tpu.sem_alloc : memref<!tpu.dma_semaphore, #tpu.memory_space<semaphore_mem>>
      %dma_start3A_13 = tpu.memref_slice %arg3[%mul3A_2] : memref<2048xi32, #tpu.memory_space<hbm>> -> memref<64xi32, #tpu.memory_space<hbm>>
      %dma_start3A_14 = tpu.memref_slice %arg3[%mul3A_2] : memref<2048xi32, #tpu.memory_space<hbm>> -> memref<64xi32, #tpu.memory_space<hbm>>
      tpu.enqueue_dma source(%dma_start3A_14 : memref<64xi32, #tpu.memory_space<hbm>>) target(%arg7 : memref<64xi32, #tpu.memory_space<vmem>>) target_semaphore(%run_scoped3A : memref<!tpu.dma_semaphore, #tpu.memory_space<semaphore_mem>>)
      %dma_wait3A_15 = tpu.memref_slice %arg3[%mul3A_2] : memref<2048xi32, #tpu.memory_space<hbm>> -> memref<64xi32, #tpu.memory_space<hbm>>
      %dma_wait3A_16 = tpu.memref_slice %arg3[%mul3A_2] : memref<2048xi32, #tpu.memory_space<hbm>> -> memref<64xi32, #tpu.memory_space<hbm>>
      tpu.wait_dma2 semaphore(%run_scoped3A : memref<!tpu.dma_semaphore, #tpu.memory_space<semaphore_mem>>) src(%dma_wait3A_16 : memref<64xi32, #tpu.memory_space<hbm>>) dst(%arg7 : memref<64xi32, #tpu.memory_space<vmem>>)
      tpu.yield
    }) : () -> ()
    %dma_start3A = arith.constant 0 : i32
    %dma_start3A_3 = arith.constant 0 : i32
    %dma_start3A_4 = tpu.memref_slice %arg2[%dma_start3A, %dma_start3A_3] : memref<8192x1024xf32, #tpu.memory_space<hbm>> -> memref<8192x1024xf32, #tpu.memory_space<hbm>>
    tpu.enqueue_indirect_dma source(%dma_start3A_4 : memref<8192x1024xf32, #tpu.memory_space<hbm>>) target(%arg8 : memref<64x1024xf32, #tpu.memory_space<vmem>>) offsets(%arg7 : memref<64xi32, #tpu.memory_space<vmem>>) semaphore(%arg9 : memref<!tpu.dma_semaphore, #tpu.memory_space<semaphore_mem>>)
    %dma_wait3A = arith.constant 0 : i32
    %dma_wait3A_5 = arith.constant 0 : i32
    %dma_wait3A_6 = tpu.memref_slice %arg2[%dma_wait3A, %dma_wait3A_5] : memref<8192x1024xf32, #tpu.memory_space<hbm>> -> memref<8192x1024xf32, #tpu.memory_space<hbm>>
    tpu.wait_indirect_dma semaphore(%arg9 : memref<!tpu.dma_semaphore, #tpu.memory_space<semaphore_mem>>) src(%dma_wait3A_6 : memref<8192x1024xf32, #tpu.memory_space<hbm>>) dst(%arg8 : memref<64x1024xf32, #tpu.memory_space<vmem>>)
    "tpu.region"() ({
      %run_scoped3A = tpu.sem_alloc : memref<!tpu.dma_semaphore, #tpu.memory_space<semaphore_mem>>
      %dma_start3A_13 = arith.constant 0 : i32
      %dma_start3A_14 = tpu.memref_slice %arg5[%mul3A_2, %dma_start3A_13] : memref<2048x1024xf32, #tpu.memory_space<hbm>> -> memref<64x1024xf32, #tpu.memory_space<hbm>>
      %dma_start3A_15 = arith.constant 0 : i32
      %dma_start3A_16 = tpu.memref_slice %arg5[%mul3A_2, %dma_start3A_15] : memref<2048x1024xf32, #tpu.memory_space<hbm>> -> memref<64x1024xf32, #tpu.memory_space<hbm>>
      tpu.enqueue_dma source(%arg8 : memref<64x1024xf32, #tpu.memory_space<vmem>>) target(%dma_start3A_16 : memref<64x1024xf32, #tpu.memory_space<hbm>>) target_semaphore(%run_scoped3A : memref<!tpu.dma_semaphore, #tpu.memory_space<semaphore_mem>>)
      %dma_wait3A_17 = arith.constant 0 : i32
      %dma_wait3A_18 = tpu.memref_slice %arg5[%mul3A_2, %dma_wait3A_17] : memref<2048x1024xf32, #tpu.memory_space<hbm>> -> memref<64x1024xf32, #tpu.memory_space<hbm>>
      %dma_wait3A_19 = arith.constant 0 : i32
      %dma_wait3A_20 = tpu.memref_slice %arg5[%mul3A_2, %dma_wait3A_19] : memref<2048x1024xf32, #tpu.memory_space<hbm>> -> memref<64x1024xf32, #tpu.memory_space<hbm>>
      tpu.wait_dma2 semaphore(%run_scoped3A : memref<!tpu.dma_semaphore, #tpu.memory_space<semaphore_mem>>) src(%arg8 : memref<64x1024xf32, #tpu.memory_space<vmem>>) dst(%dma_wait3A_20 : memref<64x1024xf32, #tpu.memory_space<hbm>>)
      tpu.yield
    }) : () -> ()
    "tpu.region"() ({
      %run_scoped3A = tpu.sem_alloc : memref<!tpu.dma_semaphore, #tpu.memory_space<semaphore_mem>>
      %dma_start3A_13 = tpu.memref_slice %arg4[%mul3A_2] : memref<2048xi32, #tpu.memory_space<hbm>> -> memref<64xi32, #tpu.memory_space<hbm>>
      %dma_start3A_14 = tpu.memref_slice %arg4[%mul3A_2] : memref<2048xi32, #tpu.memory_space<hbm>> -> memref<64xi32, #tpu.memory_space<hbm>>
      tpu.enqueue_dma source(%dma_start3A_14 : memref<64xi32, #tpu.memory_space<hbm>>) target(%arg7 : memref<64xi32, #tpu.memory_space<vmem>>) target_semaphore(%run_scoped3A : memref<!tpu.dma_semaphore, #tpu.memory_space<semaphore_mem>>)
      %dma_wait3A_15 = tpu.memref_slice %arg4[%mul3A_2] : memref<2048xi32, #tpu.memory_space<hbm>> -> memref<64xi32, #tpu.memory_space<hbm>>
      %dma_wait3A_16 = tpu.memref_slice %arg4[%mul3A_2] : memref<2048xi32, #tpu.memory_space<hbm>> -> memref<64xi32, #tpu.memory_space<hbm>>
      tpu.wait_dma2 semaphore(%run_scoped3A : memref<!tpu.dma_semaphore, #tpu.memory_space<semaphore_mem>>) src(%dma_wait3A_16 : memref<64xi32, #tpu.memory_space<hbm>>) dst(%arg7 : memref<64xi32, #tpu.memory_space<vmem>>)
      tpu.yield
    }) : () -> ()
    %dma_start3A_7 = arith.constant 0 : i32
    %dma_start3A_8 = arith.constant 0 : i32
    %dma_start3A_9 = tpu.memref_slice %arg2[%dma_start3A_7, %dma_start3A_8] : memref<8192x1024xf32, #tpu.memory_space<hbm>> -> memref<8192x1024xf32, #tpu.memory_space<hbm>>
    tpu.enqueue_indirect_dma source(%dma_start3A_9 : memref<8192x1024xf32, #tpu.memory_space<hbm>>) target(%arg8 : memref<64x1024xf32, #tpu.memory_space<vmem>>) offsets(%arg7 : memref<64xi32, #tpu.memory_space<vmem>>) semaphore(%arg9 : memref<!tpu.dma_semaphore, #tpu.memory_space<semaphore_mem>>)
    %dma_wait3A_10 = arith.constant 0 : i32
    %dma_wait3A_11 = arith.constant 0 : i32
    %dma_wait3A_12 = tpu.memref_slice %arg2[%dma_wait3A_10, %dma_wait3A_11] : memref<8192x1024xf32, #tpu.memory_space<hbm>> -> memref<8192x1024xf32, #tpu.memory_space<hbm>>
    tpu.wait_indirect_dma semaphore(%arg9 : memref<!tpu.dma_semaphore, #tpu.memory_space<semaphore_mem>>) src(%dma_wait3A_12 : memref<8192x1024xf32, #tpu.memory_space<hbm>>) dst(%arg8 : memref<64x1024xf32, #tpu.memory_space<vmem>>)
    "tpu.region"() ({
      %run_scoped3A = tpu.sem_alloc : memref<!tpu.dma_semaphore, #tpu.memory_space<semaphore_mem>>
      %dma_start3A_13 = arith.constant 0 : i32
      %dma_start3A_14 = tpu.memref_slice %arg6[%mul3A_2, %dma_start3A_13] : memref<2048x1024xf32, #tpu.memory_space<hbm>> -> memref<64x1024xf32, #tpu.memory_space<hbm>>
      %dma_start3A_15 = arith.constant 0 : i32
      %dma_start3A_16 = tpu.memref_slice %arg6[%mul3A_2, %dma_start3A_15] : memref<2048x1024xf32, #tpu.memory_space<hbm>> -> memref<64x1024xf32, #tpu.memory_space<hbm>>
      tpu.enqueue_dma source(%arg8 : memref<64x1024xf32, #tpu.memory_space<vmem>>) target(%dma_start3A_16 : memref<64x1024xf32, #tpu.memory_space<hbm>>) target_semaphore(%run_scoped3A : memref<!tpu.dma_semaphore, #tpu.memory_space<semaphore_mem>>)
      %dma_wait3A_17 = arith.constant 0 : i32
      %dma_wait3A_18 = tpu.memref_slice %arg6[%mul3A_2, %dma_wait3A_17] : memref<2048x1024xf32, #tpu.memory_space<hbm>> -> memref<64x1024xf32, #tpu.memory_space<hbm>>
      %dma_wait3A_19 = arith.constant 0 : i32
      %dma_wait3A_20 = tpu.memref_slice %arg6[%mul3A_2, %dma_wait3A_19] : memref<2048x1024xf32, #tpu.memory_space<hbm>> -> memref<64x1024xf32, #tpu.memory_space<hbm>>
      tpu.wait_dma2 semaphore(%run_scoped3A : memref<!tpu.dma_semaphore, #tpu.memory_space<semaphore_mem>>) src(%arg8 : memref<64x1024xf32, #tpu.memory_space<vmem>>) dst(%dma_wait3A_20 : memref<64x1024xf32, #tpu.memory_space<hbm>>)
      tpu.yield
    }) : () -> ()
    return
  }
}

module attributes {stable_mosaic.version = 14 : i64} {
  func.func @_meta_body(%arg0: memref<2048x2xi32, #tpu.memory_space<vmem>>, %arg1: memref<2048x2xf32, #tpu.memory_space<vmem>>, %arg2: memref<2048x128xf32, #tpu.memory_space<vmem>>, %arg3: memref<2048x128xi32, #tpu.memory_space<vmem>>, %arg4: memref<8x128xi32, #tpu.memory_space<vmem>>) attributes {dimension_semantics = [], scalar_prefetch = 0 : i64, scratch_operands = 0 : i64, tpu.core_type = #tpu.core_type<tc>} {
    %iota3A = tpu.iota {dimensions = array<i32: 1>} : vector<2048x16xi32>
    %get3A = arith.constant 0 : index
    %get3A_0 = arith.constant 0 : index
    %get3A_1 = vector.load %arg0[%get3A, %get3A_0] : memref<2048x2xi32, #tpu.memory_space<vmem>>, vector<2048x1xi32>
    %eq3A = vector.broadcast %get3A_1 : vector<2048x1xi32> to vector<2048x16xi32>
    %eq3A_2 = arith.cmpi eq, %iota3A, %eq3A : vector<2048x16xi32>
    %get3A_3 = arith.constant 0 : index
    %get3A_4 = arith.constant 1 : index
    %get3A_5 = vector.load %arg0[%get3A_3, %get3A_4] : memref<2048x2xi32, #tpu.memory_space<vmem>>, vector<2048x1xi32>
    %eq3A_6 = vector.broadcast %get3A_5 : vector<2048x1xi32> to vector<2048x16xi32>
    %eq3A_7 = arith.cmpi eq, %iota3A, %eq3A_6 : vector<2048x16xi32>
    %get3A_8 = arith.constant 0 : index
    %get3A_9 = arith.constant 0 : index
    %get3A_10 = vector.load %arg1[%get3A_8, %get3A_9] : memref<2048x2xf32, #tpu.memory_space<vmem>>, vector<2048x1xf32>
    %get3A_11 = arith.constant 0 : index
    %get3A_12 = arith.constant 1 : index
    %get3A_13 = vector.load %arg1[%get3A_11, %get3A_12] : memref<2048x2xf32, #tpu.memory_space<vmem>>, vector<2048x1xf32>
    %or3A = arith.ori %eq3A_2, %eq3A_7 : vector<2048x16xi1>
    %convert_element_type3A = arith.extui %or3A : vector<2048x16xi1> to vector<2048x16xi32>
    %convert_element_type3A_14 = arith.sitofp %convert_element_type3A : vector<2048x16xi32> to vector<2048x16xf32>
    %broadcast_in_dim3A = arith.constant 0.000000e+00 : f32
    %broadcast_in_dim3A_15 = vector.broadcast %broadcast_in_dim3A : f32 to vector<1x16xf32>
    %slice3A = vector.extract_strided_slice %convert_element_type3A_14 {offsets = [0, 0], sizes = [2047, 16], strides = [1, 1]} : vector<2048x16xf32> to vector<2047x16xf32>
    %concatenate3A = tpu.concatenate %broadcast_in_dim3A_15, %slice3A in 0 : vector<1x16xf32>, vector<2047x16xf32> -> vector<2048x16xf32>
    %add3A = arith.addf %convert_element_type3A_14, %concatenate3A : vector<2048x16xf32>
    %broadcast_in_dim3A_16 = arith.constant 0.000000e+00 : f32
    %broadcast_in_dim3A_17 = vector.broadcast %broadcast_in_dim3A_16 : f32 to vector<2x16xf32>
    %slice3A_18 = vector.extract_strided_slice %add3A {offsets = [0, 0], sizes = [2046, 16], strides = [1, 1]} : vector<2048x16xf32> to vector<2046x16xf32>
    %concatenate3A_19 = tpu.concatenate %broadcast_in_dim3A_17, %slice3A_18 in 0 : vector<2x16xf32>, vector<2046x16xf32> -> vector<2048x16xf32>
    %add3A_20 = arith.addf %add3A, %concatenate3A_19 : vector<2048x16xf32>
    %broadcast_in_dim3A_21 = arith.constant 0.000000e+00 : f32
    %broadcast_in_dim3A_22 = vector.broadcast %broadcast_in_dim3A_21 : f32 to vector<4x16xf32>
    %slice3A_23 = vector.extract_strided_slice %add3A_20 {offsets = [0, 0], sizes = [2044, 16], strides = [1, 1]} : vector<2048x16xf32> to vector<2044x16xf32>
    %concatenate3A_24 = tpu.concatenate %broadcast_in_dim3A_22, %slice3A_23 in 0 : vector<4x16xf32>, vector<2044x16xf32> -> vector<2048x16xf32>
    %add3A_25 = arith.addf %add3A_20, %concatenate3A_24 : vector<2048x16xf32>
    %broadcast_in_dim3A_26 = arith.constant 0.000000e+00 : f32
    %broadcast_in_dim3A_27 = vector.broadcast %broadcast_in_dim3A_26 : f32 to vector<8x16xf32>
    %slice3A_28 = vector.extract_strided_slice %add3A_25 {offsets = [0, 0], sizes = [2040, 16], strides = [1, 1]} : vector<2048x16xf32> to vector<2040x16xf32>
    %concatenate3A_29 = tpu.concatenate %broadcast_in_dim3A_27, %slice3A_28 in 0 : vector<8x16xf32>, vector<2040x16xf32> -> vector<2048x16xf32>
    %add3A_30 = arith.addf %add3A_25, %concatenate3A_29 : vector<2048x16xf32>
    %broadcast_in_dim3A_31 = arith.constant 0.000000e+00 : f32
    %broadcast_in_dim3A_32 = vector.broadcast %broadcast_in_dim3A_31 : f32 to vector<16x16xf32>
    %slice3A_33 = vector.extract_strided_slice %add3A_30 {offsets = [0, 0], sizes = [2032, 16], strides = [1, 1]} : vector<2048x16xf32> to vector<2032x16xf32>
    %concatenate3A_34 = tpu.concatenate %broadcast_in_dim3A_32, %slice3A_33 in 0 : vector<16x16xf32>, vector<2032x16xf32> -> vector<2048x16xf32>
    %add3A_35 = arith.addf %add3A_30, %concatenate3A_34 : vector<2048x16xf32>
    %broadcast_in_dim3A_36 = arith.constant 0.000000e+00 : f32
    %broadcast_in_dim3A_37 = vector.broadcast %broadcast_in_dim3A_36 : f32 to vector<32x16xf32>
    %slice3A_38 = vector.extract_strided_slice %add3A_35 {offsets = [0, 0], sizes = [2016, 16], strides = [1, 1]} : vector<2048x16xf32> to vector<2016x16xf32>
    %concatenate3A_39 = tpu.concatenate %broadcast_in_dim3A_37, %slice3A_38 in 0 : vector<32x16xf32>, vector<2016x16xf32> -> vector<2048x16xf32>
    %add3A_40 = arith.addf %add3A_35, %concatenate3A_39 : vector<2048x16xf32>
    %broadcast_in_dim3A_41 = arith.constant 0.000000e+00 : f32
    %broadcast_in_dim3A_42 = vector.broadcast %broadcast_in_dim3A_41 : f32 to vector<64x16xf32>
    %slice3A_43 = vector.extract_strided_slice %add3A_40 {offsets = [0, 0], sizes = [1984, 16], strides = [1, 1]} : vector<2048x16xf32> to vector<1984x16xf32>
    %concatenate3A_44 = tpu.concatenate %broadcast_in_dim3A_42, %slice3A_43 in 0 : vector<64x16xf32>, vector<1984x16xf32> -> vector<2048x16xf32>
    %add3A_45 = arith.addf %add3A_40, %concatenate3A_44 : vector<2048x16xf32>
    %broadcast_in_dim3A_46 = arith.constant 0.000000e+00 : f32
    %broadcast_in_dim3A_47 = vector.broadcast %broadcast_in_dim3A_46 : f32 to vector<128x16xf32>
    %slice3A_48 = vector.extract_strided_slice %add3A_45 {offsets = [0, 0], sizes = [1920, 16], strides = [1, 1]} : vector<2048x16xf32> to vector<1920x16xf32>
    %concatenate3A_49 = tpu.concatenate %broadcast_in_dim3A_47, %slice3A_48 in 0 : vector<128x16xf32>, vector<1920x16xf32> -> vector<2048x16xf32>
    %add3A_50 = arith.addf %add3A_45, %concatenate3A_49 : vector<2048x16xf32>
    %broadcast_in_dim3A_51 = arith.constant 0.000000e+00 : f32
    %broadcast_in_dim3A_52 = vector.broadcast %broadcast_in_dim3A_51 : f32 to vector<256x16xf32>
    %slice3A_53 = vector.extract_strided_slice %add3A_50 {offsets = [0, 0], sizes = [1792, 16], strides = [1, 1]} : vector<2048x16xf32> to vector<1792x16xf32>
    %concatenate3A_54 = tpu.concatenate %broadcast_in_dim3A_52, %slice3A_53 in 0 : vector<256x16xf32>, vector<1792x16xf32> -> vector<2048x16xf32>
    %add3A_55 = arith.addf %add3A_50, %concatenate3A_54 : vector<2048x16xf32>
    %broadcast_in_dim3A_56 = arith.constant 0.000000e+00 : f32
    %broadcast_in_dim3A_57 = vector.broadcast %broadcast_in_dim3A_56 : f32 to vector<512x16xf32>
    %slice3A_58 = vector.extract_strided_slice %add3A_55 {offsets = [0, 0], sizes = [1536, 16], strides = [1, 1]} : vector<2048x16xf32> to vector<1536x16xf32>
    %concatenate3A_59 = tpu.concatenate %broadcast_in_dim3A_57, %slice3A_58 in 0 : vector<512x16xf32>, vector<1536x16xf32> -> vector<2048x16xf32>
    %add3A_60 = arith.addf %add3A_55, %concatenate3A_59 : vector<2048x16xf32>
    %broadcast_in_dim3A_61 = arith.constant 0.000000e+00 : f32
    %broadcast_in_dim3A_62 = vector.broadcast %broadcast_in_dim3A_61 : f32 to vector<1024x16xf32>
    %slice3A_63 = vector.extract_strided_slice %add3A_60 {offsets = [0, 0], sizes = [1024, 16], strides = [1, 1]} : vector<2048x16xf32> to vector<1024x16xf32>
    %concatenate3A_64 = tpu.concatenate %broadcast_in_dim3A_62, %slice3A_63 in 0 : vector<1024x16xf32>, vector<1024x16xf32> -> vector<2048x16xf32>
    %add3A_65 = arith.addf %add3A_60, %concatenate3A_64 : vector<2048x16xf32>
    %sub3A = arith.subf %add3A_65, %convert_element_type3A_14 : vector<2048x16xf32>
    %slice3A_66 = vector.extract_strided_slice %add3A_65 {offsets = [2047, 0], sizes = [1, 16], strides = [1, 1]} : vector<2048x16xf32> to vector<1x16xf32>
    %add3A_67 = arith.constant 2.550000e+02 : f32
    %add3A_68 = vector.broadcast %add3A_67 : f32 to vector<1x16xf32>
    %add3A_69 = arith.addf %slice3A_66, %add3A_68 : vector<1x16xf32>
    %mul3A = arith.constant 3.906250e-03 : f32
    %mul3A_70 = vector.broadcast %mul3A : f32 to vector<1x16xf32>
    %mul3A_71 = arith.mulf %add3A_69, %mul3A_70 : vector<1x16xf32>
    %floor3A = math.floor %mul3A_71 : vector<1x16xf32>
    %iota3A_72 = tpu.iota {dimensions = array<i32: 0>} : vector<16x16xi32>
    %iota3A_73 = tpu.iota {dimensions = array<i32: 1>} : vector<16x16xi32>
    %lt3A = arith.cmpi slt, %iota3A_72, %iota3A_73 : vector<16x16xi32>
    %convert_element_type3A_74 = arith.extui %lt3A : vector<16x16xi1> to vector<16x16xi32>
    %convert_element_type3A_75 = arith.sitofp %convert_element_type3A_74 : vector<16x16xi32> to vector<16x16xf32>
    %dot_general3A = arith.constant dense<0.000000e+00> : vector<1x16xf32>
    %dot_general3A_76 = tpu.matmul %floor3A, %convert_element_type3A_75, %dot_general3A {dimension_numbers = #tpu.dot_dimension_numbers<[1], [0], [0], [1], [0, 0, 1, 1], [], []>, precision = #tpu.contract_precision<fp32>, transpose_lhs_hint = false} : vector<1x16xf32>, vector<16x16xf32>, vector<1x16xf32> -> vector<1x16xf32>
    %reduce_sum3A = arith.constant dense<0.000000e+00> : vector<1xf32>
    %reduce_sum3A_77 = vector.multi_reduction <add>, %floor3A, %reduce_sum3A [1] : vector<1x16xf32> to vector<1xf32>
    %broadcast_in_dim3A_78 = vector.shape_cast %reduce_sum3A_77 : vector<1xf32> to vector<1x1xf32>
    %mul3A_79 = arith.constant 2.560000e+02 : f32
    %mul3A_80 = vector.broadcast %mul3A_79 : f32 to vector<1x16xf32>
    %mul3A_81 = arith.mulf %mul3A_80, %dot_general3A_76 : vector<1x16xf32>
    %add3A_82 = vector.broadcast %mul3A_81 : vector<1x16xf32> to vector<2048x16xf32>
    %add3A_83 = arith.addf %sub3A, %add3A_82 : vector<2048x16xf32>
    %jit3A = arith.constant 0.000000e+00 : f32
    %broadcast_in_dim3A_84 = vector.broadcast %jit3A : f32 to vector<2048x16xf32>
    %select_n3A = arith.select %eq3A_2, %add3A_83, %broadcast_in_dim3A_84 : vector<2048x16xi1>, vector<2048x16xf32>
    %reduce_sum3A_85 = arith.constant dense<0.000000e+00> : vector<2048xf32>
    %reduce_sum3A_86 = vector.multi_reduction <add>, %select_n3A, %reduce_sum3A_85 [1] : vector<2048x16xf32> to vector<2048xf32>
    %broadcast_in_dim3A_87 = vector.shape_cast %reduce_sum3A_86 : vector<2048xf32> to vector<2048x1xf32>
    %jit3A_88 = arith.constant 0.000000e+00 : f32
    %broadcast_in_dim3A_89 = vector.broadcast %jit3A_88 : f32 to vector<2048x16xf32>
    %select_n3A_90 = arith.select %eq3A_7, %add3A_83, %broadcast_in_dim3A_89 : vector<2048x16xi1>, vector<2048x16xf32>
    %reduce_sum3A_91 = arith.constant dense<0.000000e+00> : vector<2048xf32>
    %reduce_sum3A_92 = vector.multi_reduction <add>, %select_n3A_90, %reduce_sum3A_91 [1] : vector<2048x16xf32> to vector<2048xf32>
    %broadcast_in_dim3A_93 = vector.shape_cast %reduce_sum3A_92 : vector<2048xf32> to vector<2048x1xf32>
    %iota3A_94 = tpu.iota {dimensions = array<i32: 1>} : vector<2048x128xi32>
    %eq3A_95 = arith.constant 0 : i32
    %eq3A_96 = vector.broadcast %eq3A_95 : i32 to vector<2048x128xi32>
    %eq3A_97 = arith.cmpi eq, %iota3A_94, %eq3A_96 : vector<2048x128xi32>
    %jit3A_98 = arith.constant 0.000000e+00 : f32
    %broadcast_in_dim3A_99 = vector.shape_cast %get3A_10 : vector<2048x1xf32> to vector<2048x1xf32>
    %broadcast_in_dim3A_100 = vector.broadcast %broadcast_in_dim3A_99 : vector<2048x1xf32> to vector<2048x128xf32>
    %broadcast_in_dim3A_101 = vector.broadcast %jit3A_98 : f32 to vector<2048x128xf32>
    %select_n3A_102 = arith.select %eq3A_97, %broadcast_in_dim3A_100, %broadcast_in_dim3A_101 : vector<2048x128xi1>, vector<2048x128xf32>
    %eq3A_103 = arith.constant 1 : i32
    %eq3A_104 = vector.broadcast %eq3A_103 : i32 to vector<2048x128xi32>
    %eq3A_105 = arith.cmpi eq, %iota3A_94, %eq3A_104 : vector<2048x128xi32>
    %jit3A_106 = arith.constant 0.000000e+00 : f32
    %broadcast_in_dim3A_107 = vector.shape_cast %get3A_13 : vector<2048x1xf32> to vector<2048x1xf32>
    %broadcast_in_dim3A_108 = vector.broadcast %broadcast_in_dim3A_107 : vector<2048x1xf32> to vector<2048x128xf32>
    %broadcast_in_dim3A_109 = vector.broadcast %jit3A_106 : f32 to vector<2048x128xf32>
    %select_n3A_110 = arith.select %eq3A_105, %broadcast_in_dim3A_108, %broadcast_in_dim3A_109 : vector<2048x128xi1>, vector<2048x128xf32>
    %add3A_111 = arith.addf %select_n3A_102, %select_n3A_110 : vector<2048x128xf32>
    %swap3A = arith.constant 0 : index
    %swap3A_112 = arith.constant 0 : index
    %swap3A_113 = vector.load %arg2[%swap3A, %swap3A_112] : memref<2048x128xf32, #tpu.memory_space<vmem>>, vector<2048x128xf32>
    tpu.vector_store %arg2[%swap3A, %swap3A_112], %add3A_111 {strides = array<i32>} : memref<2048x128xf32, #tpu.memory_space<vmem>>, vector<2048x128xf32>,
    %eq3A_114 = arith.constant 0 : i32
    %eq3A_115 = vector.broadcast %eq3A_114 : i32 to vector<2048x128xi32>
    %eq3A_116 = arith.cmpi eq, %iota3A_94, %eq3A_115 : vector<2048x128xi32>
    %jit3A_117 = arith.constant 0.000000e+00 : f32
    %broadcast_in_dim3A_118 = vector.shape_cast %broadcast_in_dim3A_87 : vector<2048x1xf32> to vector<2048x1xf32>
    %broadcast_in_dim3A_119 = vector.broadcast %broadcast_in_dim3A_118 : vector<2048x1xf32> to vector<2048x128xf32>
    %broadcast_in_dim3A_120 = vector.broadcast %jit3A_117 : f32 to vector<2048x128xf32>
    %select_n3A_121 = arith.select %eq3A_116, %broadcast_in_dim3A_119, %broadcast_in_dim3A_120 : vector<2048x128xi1>, vector<2048x128xf32>
    %eq3A_122 = arith.constant 1 : i32
    %eq3A_123 = vector.broadcast %eq3A_122 : i32 to vector<2048x128xi32>
    %eq3A_124 = arith.cmpi eq, %iota3A_94, %eq3A_123 : vector<2048x128xi32>
    %jit3A_125 = arith.constant 0.000000e+00 : f32
    %broadcast_in_dim3A_126 = vector.shape_cast %broadcast_in_dim3A_93 : vector<2048x1xf32> to vector<2048x1xf32>
    %broadcast_in_dim3A_127 = vector.broadcast %broadcast_in_dim3A_126 : vector<2048x1xf32> to vector<2048x128xf32>
    %broadcast_in_dim3A_128 = vector.broadcast %jit3A_125 : f32 to vector<2048x128xf32>
    %select_n3A_129 = arith.select %eq3A_124, %broadcast_in_dim3A_127, %broadcast_in_dim3A_128 : vector<2048x128xi1>, vector<2048x128xf32>
    %add3A_130 = arith.addf %select_n3A_121, %select_n3A_129 : vector<2048x128xf32>
    %convert_element_type3A_131 = arith.fptosi %add3A_130 : vector<2048x128xf32> to vector<2048x128xi32>
    %swap3A_132 = arith.constant 0 : index
    %swap3A_133 = arith.constant 0 : index
    %swap3A_134 = vector.load %arg3[%swap3A_132, %swap3A_133] : memref<2048x128xi32, #tpu.memory_space<vmem>>, vector<2048x128xi32>
    tpu.vector_store %arg3[%swap3A_132, %swap3A_133], %convert_element_type3A_131 {strides = array<i32>} : memref<2048x128xi32, #tpu.memory_space<vmem>>, vector<2048x128xi32>,
    %iota3A_135 = tpu.iota {dimensions = array<i32: 1>} : vector<1x128xi32>
    %convert_element_type3A_136 = arith.sitofp %iota3A_135 : vector<1x128xi32> to vector<1x128xf32>
    %sub3A_137 = arith.constant 1.000000e+00 : f32
    %sub3A_138 = vector.broadcast %sub3A_137 : f32 to vector<1x1xf32>
    %sub3A_139 = arith.subf %broadcast_in_dim3A_78, %sub3A_138 : vector<1x1xf32>
    %min3A = vector.broadcast %sub3A_139 : vector<1x1xf32> to vector<1x128xf32>
    %min3A_140 = arith.minimumf %convert_element_type3A_136, %min3A : vector<1x128xf32>
    %iota3A_141 = tpu.iota {dimensions = array<i32: 0>} : vector<16x16xi32>
    %iota3A_142 = tpu.iota {dimensions = array<i32: 1>} : vector<16x16xi32>
    %eq3A_143 = arith.cmpi eq, %iota3A_141, %iota3A_142 : vector<16x16xi32>
    %convert_element_type3A_144 = arith.extui %eq3A_143 : vector<16x16xi1> to vector<16x16xi32>
    %convert_element_type3A_145 = arith.sitofp %convert_element_type3A_144 : vector<16x16xi32> to vector<16x16xf32>
    %dot_general3A_146 = arith.constant dense<0.000000e+00> : vector<16x1xf32>
    %dot_general3A_147 = tpu.matmul %convert_element_type3A_145, %dot_general3A_76, %dot_general3A_146 {dimension_numbers = #tpu.dot_dimension_numbers<[1], [1], [0], [0], [0, 0, 1, 0], [], []>, precision = #tpu.contract_precision<fp32>, transpose_lhs_hint = false} : vector<16x16xf32>, vector<1x16xf32>, vector<16x1xf32> -> vector<16x1xf32>
    %ge3A = vector.broadcast %min3A_140 : vector<1x128xf32> to vector<16x128xf32>
    %ge3A_148 = vector.broadcast %dot_general3A_147 : vector<16x1xf32> to vector<16x128xf32>
    %ge3A_149 = arith.cmpf oge, %ge3A, %ge3A_148 : vector<16x128xf32>
    %convert_element_type3A_150 = arith.extui %ge3A_149 : vector<16x128xi1> to vector<16x128xi32>
    %convert_element_type3A_151 = arith.sitofp %convert_element_type3A_150 : vector<16x128xi32> to vector<16x128xf32>
    %reduce_sum3A_152 = arith.constant dense<0.000000e+00> : vector<128xf32>
    %reduce_sum3A_153 = vector.multi_reduction <add>, %convert_element_type3A_151, %reduce_sum3A_152 [0] : vector<16x128xf32> to vector<128xf32>
    %broadcast_in_dim3A_154 = vector.shape_cast %reduce_sum3A_153 : vector<128xf32> to vector<1x128xf32>
    %sub3A_155 = arith.constant 1.000000e+00 : f32
    %sub3A_156 = vector.broadcast %sub3A_155 : f32 to vector<1x128xf32>
    %sub3A_157 = arith.subf %broadcast_in_dim3A_154, %sub3A_156 : vector<1x128xf32>
    %broadcast_in_dim3A_158 = arith.constant 0.000000e+00 : f32
    %broadcast_in_dim3A_159 = vector.broadcast %broadcast_in_dim3A_158 : f32 to vector<6x128xf32>
    %concatenate3A_160 = tpu.concatenate %sub3A_157, %min3A_140, %broadcast_in_dim3A_159 in 0 : vector<1x128xf32>, vector<1x128xf32>, vector<6x128xf32> -> vector<8x128xf32>
    %convert_element_type3A_161 = arith.fptosi %concatenate3A_160 : vector<8x128xf32> to vector<8x128xi32>
    %swap3A_162 = arith.constant 0 : index
    %swap3A_163 = arith.constant 0 : index
    %swap3A_164 = vector.load %arg4[%swap3A_162, %swap3A_163] : memref<8x128xi32, #tpu.memory_space<vmem>>, vector<8x128xi32>
    tpu.vector_store %arg4[%swap3A_162, %swap3A_163], %convert_element_type3A_161 {strides = array<i32>} : memref<8x128xi32, #tpu.memory_space<vmem>>, vector<8x128xi32>,
    return
  }
}

module attributes {stable_mosaic.version = 14 : i64} {
  func.func @_gemm_body(%arg0: i32, %arg1: memref<32xi32, #tpu.memory_space<smem>>, %arg2: memref<32xi32, #tpu.memory_space<smem>>, %arg3: memref<256x1024xf32, #tpu.memory_space<vmem>>, %arg4: memref<1x512x1024xf32, #tpu.memory_space<vmem>>, %arg5: memref<1x512x1024xf32, #tpu.memory_space<vmem>>, %arg6: memref<1x1024x512xf32, #tpu.memory_space<vmem>>, %arg7: memref<256x1024xf32, #tpu.memory_space<vmem>>) attributes {dimension_semantics = [#tpu.dimension_semantics<arbitrary>], iteration_bounds = array<i64: 32>, scalar_prefetch = 2 : i64, scratch_operands = 0 : i64, tpu.core_type = #tpu.core_type<tc>, window_params = [{transform_indices = @transform_0, window_bounds = array<i64: 256, 1024>}, {transform_indices = @transform_1, window_bounds = array<i64: 1, 512, 1024>}, {transform_indices = @transform_2, window_bounds = array<i64: 1, 512, 1024>}, {transform_indices = @transform_3, window_bounds = array<i64: 1, 1024, 512>}, {transform_indices = @transform_4, window_bounds = array<i64: 256, 1024>}]} {
    %get3A = arith.constant 0 : index
    %get3A_0 = arith.constant 0 : index
    %get3A_1 = vector.load %arg3[%get3A, %get3A_0] : memref<256x1024xf32, #tpu.memory_space<vmem>>, vector<256x1024xf32>
    %get3A_2 = arith.constant 0 : index
    %get3A_3 = arith.constant 0 : index
    %get3A_4 = arith.constant 0 : index
    %get3A_5 = vector.load %arg4[%get3A_2, %get3A_3, %get3A_4] : memref<1x512x1024xf32, #tpu.memory_space<vmem>>, vector<1x512x1024xf32>
    %get3A_6 = vector.shape_cast %get3A_5 : vector<1x512x1024xf32> to vector<512x1024xf32>
    %dot_general3A = arith.constant dense<0.000000e+00> : vector<256x512xf32>
    %dot_general3A_7 = tpu.matmul %get3A_1, %get3A_6, %dot_general3A {dimension_numbers = #tpu.dot_dimension_numbers<[1], [1], [0], [0], [0, 0, 1, 0], [], []>, transpose_lhs_hint = false} : vector<256x1024xf32>, vector<512x1024xf32>, vector<256x512xf32> -> vector<256x512xf32>
    %get3A_8 = arith.constant 0 : index
    %get3A_9 = arith.constant 0 : index
    %get3A_10 = arith.constant 0 : index
    %get3A_11 = vector.load %arg5[%get3A_8, %get3A_9, %get3A_10] : memref<1x512x1024xf32, #tpu.memory_space<vmem>>, vector<1x512x1024xf32>
    %get3A_12 = vector.shape_cast %get3A_11 : vector<1x512x1024xf32> to vector<512x1024xf32>
    %dot_general3A_13 = arith.constant dense<0.000000e+00> : vector<256x512xf32>
    %dot_general3A_14 = tpu.matmul %get3A_1, %get3A_12, %dot_general3A_13 {dimension_numbers = #tpu.dot_dimension_numbers<[1], [1], [0], [0], [0, 0, 1, 0], [], []>, transpose_lhs_hint = false} : vector<256x1024xf32>, vector<512x1024xf32>, vector<256x512xf32> -> vector<256x512xf32>
    %logistic3A = arith.negf %dot_general3A_7 : vector<256x512xf32>
    %logistic3A_15 = math.exp %logistic3A : vector<256x512xf32>
    %logistic3A_16 = arith.constant 1.000000e+00 : f32
    %logistic3A_17 = vector.broadcast %logistic3A_16 : f32 to vector<256x512xf32>
    %logistic3A_18 = arith.addf %logistic3A_17, %logistic3A_15 : vector<256x512xf32>
    %logistic3A_19 = arith.divf %logistic3A_17, %logistic3A_18 : vector<256x512xf32>
    %mul3A = arith.mulf %dot_general3A_7, %logistic3A_19 : vector<256x512xf32>
    %mul3A_20 = arith.mulf %mul3A, %dot_general3A_14 : vector<256x512xf32>
    %convert_element_type3A = arith.truncf %mul3A_20 : vector<256x512xf32> to vector<256x512xbf16>
    %get3A_21 = arith.constant 0 : index
    %get3A_22 = arith.constant 0 : index
    %get3A_23 = arith.constant 0 : index
    %get3A_24 = vector.load %arg6[%get3A_21, %get3A_22, %get3A_23] : memref<1x1024x512xf32, #tpu.memory_space<vmem>>, vector<1x1024x512xf32>
    %get3A_25 = vector.shape_cast %get3A_24 : vector<1x1024x512xf32> to vector<1024x512xf32>
    %dot_general3A_26 = arith.constant dense<0.000000e+00> : vector<256x1024xf32>
    %dot_general3A_27 = tpu.matmul %convert_element_type3A, %get3A_25, %dot_general3A_26 {dimension_numbers = #tpu.dot_dimension_numbers<[1], [1], [0], [0], [0, 0, 1, 0], [], []>, transpose_lhs_hint = false} : vector<256x512xbf16>, vector<1024x512xf32>, vector<256x1024xf32> -> vector<256x1024xf32>
    %swap3A = arith.constant 0 : index
    %swap3A_28 = arith.constant 0 : index
    %swap3A_29 = vector.load %arg7[%swap3A, %swap3A_28] : memref<256x1024xf32, #tpu.memory_space<vmem>>, vector<256x1024xf32>
    tpu.vector_store %arg7[%swap3A, %swap3A_28], %dot_general3A_27 {strides = array<i32>} : memref<256x1024xf32, #tpu.memory_space<vmem>>, vector<256x1024xf32>,
    return
  }
  func.func @transform_0(%arg0: i32, %arg1: memref<32xi32, #tpu.memory_space<smem>>, %arg2: memref<32xi32, #tpu.memory_space<smem>>) -> (i32, i32) {
    %get3A = arith.index_cast %arg0 : i32 to index
    %get3A_0 = memref.load %arg2[%get3A] : memref<32xi32, #tpu.memory_space<smem>>
    %c0_i32 = arith.constant 0 : i32
    %c0_i32_1 = arith.constant 0 : i32
    return %get3A_0, %c0_i32 : i32, i32
  }
  func.func @transform_1(%arg0: i32, %arg1: memref<32xi32, #tpu.memory_space<smem>>, %arg2: memref<32xi32, #tpu.memory_space<smem>>) -> (i32, i32, i32) {
    %get3A = arith.index_cast %arg0 : i32 to index
    %get3A_0 = memref.load %arg1[%get3A] : memref<32xi32, #tpu.memory_space<smem>>
    %c0_i32 = arith.constant 0 : i32
    %c0_i32_1 = arith.constant 0 : i32
    %c0_i32_2 = arith.constant 0 : i32
    return %get3A_0, %c0_i32, %c0_i32_1 : i32, i32, i32
  }
  func.func @transform_2(%arg0: i32, %arg1: memref<32xi32, #tpu.memory_space<smem>>, %arg2: memref<32xi32, #tpu.memory_space<smem>>) -> (i32, i32, i32) {
    %get3A = arith.index_cast %arg0 : i32 to index
    %get3A_0 = memref.load %arg1[%get3A] : memref<32xi32, #tpu.memory_space<smem>>
    %c0_i32 = arith.constant 0 : i32
    %c0_i32_1 = arith.constant 0 : i32
    %c0_i32_2 = arith.constant 0 : i32
    return %get3A_0, %c0_i32, %c0_i32_1 : i32, i32, i32
  }
  func.func @transform_3(%arg0: i32, %arg1: memref<32xi32, #tpu.memory_space<smem>>, %arg2: memref<32xi32, #tpu.memory_space<smem>>) -> (i32, i32, i32) {
    %get3A = arith.index_cast %arg0 : i32 to index
    %get3A_0 = memref.load %arg1[%get3A] : memref<32xi32, #tpu.memory_space<smem>>
    %c0_i32 = arith.constant 0 : i32
    %c0_i32_1 = arith.constant 0 : i32
    %c0_i32_2 = arith.constant 0 : i32
    return %get3A_0, %c0_i32, %c0_i32_1 : i32, i32, i32
  }
  func.func @transform_4(%arg0: i32, %arg1: memref<32xi32, #tpu.memory_space<smem>>, %arg2: memref<32xi32, #tpu.memory_space<smem>>) -> (i32, i32) {
    %get3A = arith.index_cast %arg0 : i32 to index
    %get3A_0 = memref.load %arg2[%get3A] : memref<32xi32, #tpu.memory_space<smem>>
    %c0_i32 = arith.constant 0 : i32
    %c0_i32_1 = arith.constant 0 : i32
    return %get3A_0, %c0_i32 : i32, i32
  }
}

module attributes {stable_mosaic.version = 14 : i64} {
  func.func @_shared_body(%arg0: i32, %arg1: memref<256x1024xf32, #tpu.memory_space<vmem>>, %arg2: memref<1024x1024xf32, #tpu.memory_space<vmem>>, %arg3: memref<1024x1024xf32, #tpu.memory_space<vmem>>, %arg4: memref<1024x1024xf32, #tpu.memory_space<vmem>>, %arg5: memref<256x1024xf32, #tpu.memory_space<vmem>>, %arg6: memref<256x1024xf32, #tpu.memory_space<vmem>>, %arg7: memref<256x128xf32, #tpu.memory_space<vmem>>, %arg8: memref<256x1024xf32, #tpu.memory_space<vmem>>) attributes {dimension_semantics = [#tpu.dimension_semantics<arbitrary>], iteration_bounds = array<i64: 8>, scalar_prefetch = 0 : i64, scratch_operands = 0 : i64, tpu.core_type = #tpu.core_type<tc>, window_params = [{transform_indices = @transform_0, window_bounds = array<i64: 256, 1024>}, {pipeline_mode = #tpu.pipeline_mode<synchronous>, transform_indices = @transform_1, window_bounds = array<i64: 1024, 1024>}, {pipeline_mode = #tpu.pipeline_mode<synchronous>, transform_indices = @transform_2, window_bounds = array<i64: 1024, 1024>}, {pipeline_mode = #tpu.pipeline_mode<synchronous>, transform_indices = @transform_3, window_bounds = array<i64: 1024, 1024>}, {transform_indices = @transform_4, window_bounds = array<i64: 256, 1024>}, {transform_indices = @transform_5, window_bounds = array<i64: 256, 1024>}, {transform_indices = @transform_6, window_bounds = array<i64: 256, 128>}, {transform_indices = @transform_7, window_bounds = array<i64: 256, 1024>}]} {
    %get3A = arith.constant 0 : index
    %get3A_0 = arith.constant 0 : index
    %get3A_1 = vector.load %arg1[%get3A, %get3A_0] : memref<256x1024xf32, #tpu.memory_space<vmem>>, vector<256x1024xf32>
    %get3A_2 = arith.constant 0 : index
    %get3A_3 = arith.constant 0 : index
    %get3A_4 = vector.load %arg2[%get3A_2, %get3A_3] : memref<1024x1024xf32, #tpu.memory_space<vmem>>, vector<1024x1024xf32>
    %dot_general3A = arith.constant dense<0.000000e+00> : vector<256x1024xf32>
    %dot_general3A_5 = tpu.matmul %get3A_1, %get3A_4, %dot_general3A {dimension_numbers = #tpu.dot_dimension_numbers<[1], [1], [0], [0], [0, 0, 1, 0], [], []>, transpose_lhs_hint = false} : vector<256x1024xf32>, vector<1024x1024xf32>, vector<256x1024xf32> -> vector<256x1024xf32>
    %get3A_6 = arith.constant 0 : index
    %get3A_7 = arith.constant 0 : index
    %get3A_8 = vector.load %arg3[%get3A_6, %get3A_7] : memref<1024x1024xf32, #tpu.memory_space<vmem>>, vector<1024x1024xf32>
    %dot_general3A_9 = arith.constant dense<0.000000e+00> : vector<256x1024xf32>
    %dot_general3A_10 = tpu.matmul %get3A_1, %get3A_8, %dot_general3A_9 {dimension_numbers = #tpu.dot_dimension_numbers<[1], [1], [0], [0], [0, 0, 1, 0], [], []>, transpose_lhs_hint = false} : vector<256x1024xf32>, vector<1024x1024xf32>, vector<256x1024xf32> -> vector<256x1024xf32>
    %logistic3A = arith.negf %dot_general3A_5 : vector<256x1024xf32>
    %logistic3A_11 = math.exp %logistic3A : vector<256x1024xf32>
    %logistic3A_12 = arith.constant 1.000000e+00 : f32
    %logistic3A_13 = vector.broadcast %logistic3A_12 : f32 to vector<256x1024xf32>
    %logistic3A_14 = arith.addf %logistic3A_13, %logistic3A_11 : vector<256x1024xf32>
    %logistic3A_15 = arith.divf %logistic3A_13, %logistic3A_14 : vector<256x1024xf32>
    %mul3A = arith.mulf %dot_general3A_5, %logistic3A_15 : vector<256x1024xf32>
    %mul3A_16 = arith.mulf %mul3A, %dot_general3A_10 : vector<256x1024xf32>
    %convert_element_type3A = arith.truncf %mul3A_16 : vector<256x1024xf32> to vector<256x1024xbf16>
    %get3A_17 = arith.constant 0 : index
    %get3A_18 = arith.constant 0 : index
    %get3A_19 = vector.load %arg4[%get3A_17, %get3A_18] : memref<1024x1024xf32, #tpu.memory_space<vmem>>, vector<1024x1024xf32>
    %dot_general3A_20 = arith.constant dense<0.000000e+00> : vector<256x1024xf32>
    %dot_general3A_21 = tpu.matmul %convert_element_type3A, %get3A_19, %dot_general3A_20 {dimension_numbers = #tpu.dot_dimension_numbers<[1], [1], [0], [0], [0, 0, 1, 0], [], []>, transpose_lhs_hint = false} : vector<256x1024xbf16>, vector<1024x1024xf32>, vector<256x1024xf32> -> vector<256x1024xf32>
    %get3A_22 = arith.constant 0 : index
    %get3A_23 = arith.constant 0 : index
    %get3A_24 = vector.load %arg7[%get3A_22, %get3A_23] : memref<256x128xf32, #tpu.memory_space<vmem>>, vector<256x1xf32>
    %get3A_25 = arith.constant 0 : index
    %get3A_26 = arith.constant 0 : index
    %get3A_27 = vector.load %arg5[%get3A_25, %get3A_26] : memref<256x1024xf32, #tpu.memory_space<vmem>>, vector<256x1024xf32>
    %mul3A_28 = vector.broadcast %get3A_24 : vector<256x1xf32> to vector<256x1024xf32>
    %mul3A_29 = arith.mulf %mul3A_28, %get3A_27 : vector<256x1024xf32>
    %add3A = arith.addf %dot_general3A_21, %mul3A_29 : vector<256x1024xf32>
    %get3A_30 = arith.constant 0 : index
    %get3A_31 = arith.constant 1 : index
    %get3A_32 = vector.load %arg7[%get3A_30, %get3A_31] : memref<256x128xf32, #tpu.memory_space<vmem>>, vector<256x1xf32>
    %get3A_33 = arith.constant 0 : index
    %get3A_34 = arith.constant 0 : index
    %get3A_35 = vector.load %arg6[%get3A_33, %get3A_34] : memref<256x1024xf32, #tpu.memory_space<vmem>>, vector<256x1024xf32>
    %mul3A_36 = vector.broadcast %get3A_32 : vector<256x1xf32> to vector<256x1024xf32>
    %mul3A_37 = arith.mulf %mul3A_36, %get3A_35 : vector<256x1024xf32>
    %add3A_38 = arith.addf %add3A, %mul3A_37 : vector<256x1024xf32>
    %swap3A = arith.constant 0 : index
    %swap3A_39 = arith.constant 0 : index
    %swap3A_40 = vector.load %arg8[%swap3A, %swap3A_39] : memref<256x1024xf32, #tpu.memory_space<vmem>>, vector<256x1024xf32>
    tpu.vector_store %arg8[%swap3A, %swap3A_39], %add3A_38 {strides = array<i32>} : memref<256x1024xf32, #tpu.memory_space<vmem>>, vector<256x1024xf32>,
    return
  }
  func.func @transform_0(%arg0: i32) -> (i32, i32) {
    %c0_i32 = arith.constant 0 : i32
    %c0_i32_0 = arith.constant 0 : i32
    return %arg0, %c0_i32 : i32, i32
  }
  func.func @transform_1(%arg0: i32) -> (i32, i32) {
    %c0_i32 = arith.constant 0 : i32
    %c0_i32_0 = arith.constant 0 : i32
    %c0_i32_1 = arith.constant 0 : i32
    return %c0_i32, %c0_i32_0 : i32, i32
  }
  func.func @transform_2(%arg0: i32) -> (i32, i32) {
    %c0_i32 = arith.constant 0 : i32
    %c0_i32_0 = arith.constant 0 : i32
    %c0_i32_1 = arith.constant 0 : i32
    return %c0_i32, %c0_i32_0 : i32, i32
  }
  func.func @transform_3(%arg0: i32) -> (i32, i32) {
    %c0_i32 = arith.constant 0 : i32
    %c0_i32_0 = arith.constant 0 : i32
    %c0_i32_1 = arith.constant 0 : i32
    return %c0_i32, %c0_i32_0 : i32, i32
  }
  func.func @transform_4(%arg0: i32) -> (i32, i32) {
    %c0_i32 = arith.constant 0 : i32
    %c0_i32_0 = arith.constant 0 : i32
    return %arg0, %c0_i32 : i32, i32
  }
  func.func @transform_5(%arg0: i32) -> (i32, i32) {
    %c0_i32 = arith.constant 0 : i32
    %c0_i32_0 = arith.constant 0 : i32
    return %arg0, %c0_i32 : i32, i32
  }
  func.func @transform_6(%arg0: i32) -> (i32, i32) {
    %c0_i32 = arith.constant 0 : i32
    %c0_i32_0 = arith.constant 0 : i32
    return %arg0, %c0_i32 : i32, i32
  }
  func.func @transform_7(%arg0: i32) -> (i32, i32) {
    %c0_i32 = arith.constant 0 : i32
    %c0_i32_0 = arith.constant 0 : i32
    return %arg0, %c0_i32 : i32, i32
  }
}

</mosaic_0001>

<sc_bundles>
// kernel: gather_offload_async_start
scs
__scs_entry_jumppad:
0x0: {  	(pc) =	sbr.rel $0x88, $3  }
0x1: {  	(tag) =	ssettag $0x0;
	lr =	simm.s32 $0x1  }
0x2: {  	[smem:$0x3F98] =	sst lr;
	_ =	strace $0xD0000000  }
0x3: {  	_ = 	snop  }
0x4: {  	_ = 	snop  }
0x5: {  	_ = 	snop  }
0x6: {  	_ = 	snop  }
0x7: {  	_ = 	snop  }
__scs_overlays_trampoline_lowered:
0x8: {  	[smem:$0x3FA7] =	sst s0  }
0x9: {  	[smem:$0x3FA8] =	sst s1  }
0xa: {  	[smem:$0x3FA9] =	sst s2  }
0xb: {  	[smem:$0x3FAA] =	sst s3  }
0xc: {  	[smem:$0x3FAB] =	sst s4  }
0xd: {  	[smem:$0x3FAC] =	sst s5  }
0xe: {  	[smem:$0x3FAD] =	sst s6  }
0xf: {  	[smem:$0x3FAE] =	sst s7  }
0x10: {  	[smem:$0x3FAF] =	sst s8  }
0x11: {  	[smem:$0x3FB0] =	sst s9;
	s0 =	simm.s32 @!p0 $0x0  }
0x12: {  	s1 =	sld [smem:$0x3F96];
	s0 =	simm.s32 @p0 $0x1  }
0x13: {  	[smem:$0x3FB1] =	sst s0;
	s0 =	simm.s32 @!p1 $0x0  }
0x14: {  	s2 =	sld [smem:$0x3F95];
	s0 =	simm.s32 @p1 $0x1  }
0x15: {  	[smem:$0x3FB2] =	sst s0;
	s0 =	simm.s32 @!p2 $0x0  }
0x16: {  	s3 =	sld [smem:$0x3FDB];
	s0 =	simm.s32 @p2 $0x1  }
0x17: {  	s4 =	simm.s32 $0x1BF5;
	[smem:$0x3FB4] =	sst s0  }
0x18: {  	s0 =	sld [smem:$0x3F97];
	_ =	swait.ge [sflag:s4], $0x0  }
0x19: {  	s7 =	sld [smem:$0x3F98]  }
0x1a: {  	s8 =	sadd.s32 $0xFFFFE003, lr  }
0x1b: {  	s9 =	sadd.s32 $0xFFFFFEF7, lr;
	s5 =	simm.s32 $0xFFFFFFFF;
	p2 =	slt.u32 s8, $0xFFFFF086  }
0x1c: {  	p1 =	slt.u32 s9, $0xF7A;
	s5 =	simm.s32 @!p2 $0x0  }
0x1d: {  	s5 =	simm.s32 @p1 $0x1;
	p0 =	seq.s32 s7, s2  }
0x1e: {  	s7 =	smul.u32 @!p0 $0xF7A, s2;
	p2 =	seq.s32 @!p0 s5, $0x0  }
0x1f: {  	s9 =	smul.u32 $0xF7A, s1;
	s8 =	simm.s32 @!p0 $0x1BF5;
	p2 =	por !p2, p0  }
0x20: {  	[sflag:s8] =	ssyncset.s32 @!p0 $0xFFFFF086;
	s6 =	sadd.s32 @!p0 s3, s7;
	s7 =	simm.s32 @!p0 $0x108  }
0x21: {  	s3 =	sadd.s32 s3, s9;
	s6 =	sadd.s32 @!p0 $0x88, s6;
	s7 =	simm.s32 @p2 $0x1082  }
0x22: {  	[simem:s7], [sflag:s8] =	dma.local @!p0 [hbm:s6], $0xF7A  }
0x23: {  	s9 =	sor.u32 $0xD0000000, s2;
	s6 =	simm.s32 $0x108;
	_ =	swait.ge @!p0 [sflag:s8], $0x0  }
0x24: {  	s3 =	sadd.s32 $0x88, s3;
	s6 =	simm.s32 @!p1 $0x1082;
	[sflag:s4] =	ssyncset.s32 $0xFFFFF086  }
0x25: {  	[simem:s6], [sflag:s4] =	dma.local [hbm:s3], $0xF7A  }
0x26: {  	[smem:$0x3F98] =	sst s1;
	(tag) =	ssettag s2;
	_ =	strace s9  }
0x27: {  	s1 =	sld [smem:$0x3FA8]  }
0x28: {  	s2 =	sld [smem:$0x3FA9]  }
0x29: {  	s4 =	sld [smem:$0x3FAB]  }
0x2a: {  	p0 =	seq.s32 s5, $0x0;
	s5 =	sld [smem:$0x3FAC]  }
0x2b: {  	s6 =	sld [smem:$0x3FAD]  }
0x2c: {  	s7 =	sld [smem:$0x3FAE]  }
0x2d: {  	s3 =	simm.s32 $0x108;
	s8 =	sld [smem:$0x3FAF]  }
0x2e: {  	s3 =	simm.s32 @!p0 $0x1082;
	s9 =	sld [smem:$0x3FB0]  }
0x2f: {  	lr =	sadd.s32 s0, s3;
	s0 =	sld [smem:$0x3FA7]  }
0x30: {  	s3 =	sld [smem:$0x3FAA]  }
0x31: {  	[smem:$0x3FB3] =	sst s10  }
0x32: {  	s10 =	sld [smem:$0x3FB1];
	_ =	sdelay $0x3  }
0x33: {  	p0 =	seq.s32 s10, $0x1;
	s10 =	sld [smem:$0x3FB3];
	_ =	sdelay $0x3  }
0x34: {  	[smem:$0x3FB3] =	sst s10  }
0x35: {  	s10 =	sld [smem:$0x3FB2];
	_ =	sdelay $0x3  }
0x36: {  	p1 =	seq.s32 s10, $0x1;
	s10 =	sld [smem:$0x3FB3];
	_ =	sdelay $0x3  }
0x37: {  	[smem:$0x3FB3] =	sst s10  }
0x38: {  	s10 =	sld [smem:$0x3FB4]  }
0x39: {  	_ = 	snop;
	(pc) =	sbr.ind lr, $3  }
0x3a: {  	_ = 	snop  }
0x3b: {  	_ = 	snop  }
0x3c: {  	p2 =	seq.s32 s10, $0x1;
	s10 =	sld [smem:$0x3FB3]  }
0x3d: {  	_ =	shalt  }
0x3e: {  	_ =	shalt  }
0x3f: {  	_ =	shalt  }
0x40: {  	_ =	shalt  }
0x41: {  	_ =	shalt  }
0x42: {  	_ =	shalt  }
0x43: {  	_ =	shalt  }
0x44: {  	_ =	shalt  }
0x45: {  	_ =	shalt  }
0x46: {  	_ =	shalt  }
0x47: {  	_ =	shalt  }
0x48: {  	_ =	shalt  }
0x49: {  	_ =	shalt  }
0x4a: {  	_ =	shalt  }
0x4b: {  	_ =	shalt  }
0x4c: {  	_ =	shalt  }
0x4d: {  	_ =	shalt  }
0x4e: {  	_ =	shalt  }
0x4f: {  	_ =	shalt  }
0x50: {  	_ =	shalt  }
0x51: {  	_ =	shalt  }
0x52: {  	_ =	shalt  }
0x53: {  	_ =	shalt  }
0x54: {  	_ =	shalt  }
0x55: {  	_ =	shalt  }
0x56: {  	_ =	shalt  }
0x57: {  	_ =	shalt  }
0x58: {  	_ =	shalt  }
0x59: {  	_ =	shalt  }
0x5a: {  	_ =	shalt  }
0x5b: {  	_ =	shalt  }
0x5c: {  	_ =	shalt  }
0x5d: {  	_ =	shalt  }
0x5e: {  	_ =	shalt  }
0x5f: {  	_ =	shalt  }
0x60: {  	_ =	shalt  }
0x61: {  	_ =	shalt  }
0x62: {  	_ =	shalt  }
0x63: {  	_ =	shalt  }
0x64: {  	_ =	shalt  }
0x65: {  	_ =	shalt  }
0x66: {  	_ =	shalt  }
0x67: {  	_ =	shalt  }
0x68: {  	_ =	shalt  }
0x69: {  	_ =	shalt  }
0x6a: {  	_ =	shalt  }
0x6b: {  	_ =	shalt  }
0x6c: {  	_ =	shalt  }
0x6d: {  	_ =	shalt  }
0x6e: {  	_ =	shalt  }
0x6f: {  	_ =	shalt  }
0x70: {  	_ =	shalt  }
0x71: {  	_ =	shalt  }
0x72: {  	_ =	shalt  }
0x73: {  	_ =	shalt  }
0x74: {  	_ =	shalt  }
0x75: {  	_ =	shalt  }
0x76: {  	_ =	shalt  }
0x77: {  	_ =	shalt  }
0x78: {  	_ =	shalt  }
0x79: {  	_ =	shalt  }
0x7a: {  	_ =	shalt  }
0x7b: {  	_ =	shalt  }
0x7c: {  	_ =	shalt  }
0x7d: {  	_ =	shalt  }
0x7e: {  	_ =	shalt  }
0x7f: {  	_ =	shalt  }
0x80: {  	_ =	shalt  }
0x81: {  	_ =	shalt  }
0x82: {  	_ =	shalt  }
0x83: {  	_ =	shalt  }
0x84: {  	_ =	shalt  }
0x85: {  	_ =	shalt  }
0x86: {  	_ =	shalt  }
0x87: {  	_ =	shalt  }
.Lfunc_end0:
.L_simem_size_0:
called_computation_lowered:
.L_overlay_start_0:
0x88: {  	s2 =	sld [smem:$0x3FD9]  }
0x89: {  	s3 =	sld [smem:$0x3FFE];
	_ =	sdelay $0x1  }
0x8a: {  	s1 =	srdreg.scid  }
0x8b: {  	s0 =	sand.u32 $0x1, s1  }
0x8c: {  	s16 =	sshll.u32 s0, $0xA;
	s2 =	sadd.s32 s3, s2  }
0x8d: {  	s2 =	sadd.s32 s2, s16  }
0x8e: {  	[smem:$0x3FBF] =	sst s2  }
0x8f: {  	_ = 	snop  }
0x90: {  	(tm) =	ssettm $0x1  }
0x91: {  	s17 =	sld [smem:$0x3FFB];
	_ =	sdelay $0x3  }
0x92: {  	_ =	strace s17  }
0x93: {  	s2 =	sld [smem:$0x3FFC];
	_ =	sdelay $0x3  }
0x94: {  	_ =	strace s2  }
0x95: {  	s2 =	sld [smem:$0x3FFD];
	_ =	sdelay $0x3  }
0x96: {  	_ =	strace s2  }
0x97: {  	_ =	strace $0x8FFFFFFF  }
0x98: {  	s18 =	sld [smem:$0x3FDB];
	_ =	sdelay $0x1  }
0x99: {  	s19 =	simm.s32 $_scs_section_size  }
0x9a: {  	s4 =	simm.s32 $_size__tile_overlayer_lowered;
	s5 =	simm.s32 $_tile_overlayer_lowered  }
0x9b: {  	s22 =	simm.s32 $0x1BFF;
	s21 =	sshll.u32 s5, $0x1;
	s2 =	sadd.s32 s19, s18  }
0x9c: {  	s6 =	simm.s32 $0x0;
	s20 =	sshll.u32 s4, $0x1;
	s4 =	sadd.s32 s21, s2  }
0x9d: {  	[timem:s6], [sflag:s22] =	dma.local [hbm:s4], s20  }
0x9e: {  	_ =	swait.ge [sflag:s22], s20  }
0x9f: {  	s3 =	ssub.s32 $0x0, s20;
	[sflag:s22] =	ssyncset.done $0x0  }
0xa0: {  	[sflag:s22] =	ssyncadd.s32 s3;
	_ =	sdelay $0x1  }
0xa1: {  	s23 =	simm.s32 $0x1B8B  }
0xa2: {  	_ =	swait.ge [sflag:s23], $0x1  }
0xa3: {  	[sflag:s23] =	ssyncset.done $0x0  }
0xa4: {  	s25 =	simm.s32 $0x1B8E;
	s24 =	sld [smem:$0x3FFE];
	[sflag:s23] =	ssyncadd.s32 $0xFFFFFFFF  }
0xa5: {  	s26 =	simm.s32 $execute0_lowered;
	[smem:$0x3FD2] =	sst s25  }
0xa6: {  	s4 =	sshll.u32 s26, $0x1;
	_ =	strace $0x80000046;
	[dreg:$0x1] =	wrdreg $0xFFFFFFFF  }
0xa7: {  	s28 =	simm.s32 $_size_execute0_lowered;
	s2 =	sadd.s32 s2, s4;
	[dreg:$0x0] =	wrdreg $0x0  }
0xa8: {  	s4 =	sshll.u32 s28, $0x1;
	[dreg:$0x2] =	wrdreg s2  }
0xa9: {  	[dreg:$0x3] =	wrdreg s4  }
0xaa: {  	[dreg:$0x4] =	wrdreg $0xC0  }
0xab: {  	_ =	task [dreg:s6], $0x5FFFF  }
0xac: {  	[dreg:$0x1] =	wrdreg $0xFFFFFFFF  }
0xad: {  	[dreg:$0x0] =	wrdreg $0x60  }
0xae: {  	[dreg:$0x2] =	wrdreg s24  }
0xaf: {  	[dreg:$0x3] =	wrdreg $0x9  }
0xb0: {  	_ =	task.clear_ibuf [dreg:s6], $0x4FFFF;
	_ =	strace $0x90000046  }
0xb1: {  	s29 =	simm.s32 $0x9;
	_ =	strace $0x80000048  }
0xb2: {  	_ =	swait.ge [sflag:s29], $0x1  }
0xb3: {  	[sflag:s29] =	ssyncadd.s32 $0xFFFFFFFF  }
0xb4: {  	_ =	strace $0x90000048  }
0xb5: {  	_ =	sfence  }
0xb6: {  	s30 =	sld [smem:$0x0];
	_ =	sdelay $0x2  }
0xb7: {  	s31 =	sshll.u32 s1, $0xD;
	s1 =	sshrl.u32 s1, $0x2  }
0xb8: {  	s3 =	sand.u32 $0x4000, s31;
	s1 =	sadd.s32 s1, s30  }
0xb9: {  	s0 =	sor.u32 s3, s0;
	s1 =	sshll.u32 s1, $0x11  }
0xba: {  	s0 =	sor.u32 s1, s0  }
0xbb: {  	s0 =	sadd.s32 $0x8F2B, s0  }
0xbc: {  	[sflag:s0] =	ssyncadd.remote.s32 $0x1  }
0xbd: {  	_ =	sfence.sel $0xFFFF  }
0xbe: {  	[dreg:$0x0] =	wrdreg $0xFFFFFFFF;
	(pc) =	sbr.abs _section_cstart, $3  }
0xbf: {  	[dreg:$0x1] =	wrdreg $0xFFFFFFFF  }
0xc0: {  	_ =	task.clear_ibuf [dreg:s6], $0x2FFFF;
	_ =	strace $0x9FFFFFFF  }
0xc1: {  	(tm) =	ssettm $0x7FFFFFFF  }
tec
execute0_lowered:
.L_overlay_start_1:
0x0: {  	(tag) =	ssettag $0x1  }
0x1: {  	s1 =	srdreg.scid  }
0x2: {  	s0 =	stileid.u32;
	s2 =	rddreg [dreg:$0x0];
	s6 =	simm.s32 $0x1  }
0x3: {  	s9 =	simm.s32 $0x1;
	s10 =	simm.s32 $0x3;
	s1 =	sshll.u32 s1, $0x6  }
0x4: {  	s13 =	simm.s32 $0x0;
	s3 =	sshll.u32 s0, $0x7;
	s4 =	sand.u32 $0x40, s1  }
0x5: {  	s12 =	simm.s32 $0x0;
	s5 =	sadd.s32 $0x1200, s2;
	s3 =	sor.u32 s3, s4  }
0x6: {  	s1 =	rddreg [dreg:$0x1];
	_ =	strace $0x80000047;
	s8 =	ssub.s32 $0x1000, s3  }
.Ltmp0:
0x7: {  	s4 =	sadd.s32 $0x1000, s2;
	s7 =	sand.u32 $0x7C0, s8;
	(pc) =	sbr.rel .LBB2_1-.Ltmp0, $4  }
0x8: {  	[sflag:s6] =	ssyncpa.u1 $0x0;
	s11 =	smov.u32 s3;
	p0 =	sne.s32 s7, $0x0  }
0x9: {  	s8 =	sshrl.u32 s8, $0xB;
	s7 =	simm.s32 $0x2;
	s9 =	simm.s32 @!p0 $0x0  }
0xa: {  	[sflag:s7] =	ssyncpa.u1 $0x0;
	p0 =	por $0x0, $0x0;
	s8 =	sadd.s32 s9, s8  }
0xb: {  	vm0 =	vmmov $0xffff;
	[sflag:s10] =	ssyncpa.u1 $0x0;
	s10 =	simm.s32 $0x0;
	s9 =	sadd.s32 $0x1, s8  }
.LBB2_4:
0xc: {  	vm1 =	veq.s32 v0, $0x80000000;
	v63 =	vand.u32 $0x7FF, v0;
	v2 =	vand.u32 $0xF, v2  }
0xd: {  	v0 =	vsel vm1, $0xFFFFFFFF, v63;
	v2 =	vsel vm1, $0xFFFFFFFF, v2  }
0xe: {  	v3 =	vshll.u32 v2, $0xB;
	v4 =	vshll.u32 v0, $0x3  }
0xf: {  	v2 =	vshll.u32 v2, $0x7;
	v3 =	vand.u32 $0xFFFFC000, v3;
	v4 =	vand.u32 $0xFFFFFC00, v4  }
0x10: {  	v2 =	vand.u32 $0x380, v2;
	v3 =	vadd.s32 v4, v3  }
0x11: {  	v0 =	vand.u32 $0x7F, v0;
	v2 =	vor.u32 v2, v3  }
0x12: {  	v0 =	vor.u32 v0, v2;
	_ =	sdelay $0x1  }
0x13: {  	(ifvalue) =	ssetifvalue $0x7FFFFFFF;
	s14 =	sadd.s32 $0x10, s14  }
0x14: {  	[tilespmem:s14], [sflag:$0x1] =	stream.indirect_vreg.gather [hbm4b:s2+s10], $0x1, v1, vm0, $0x4038;
	[tilespmem:$0x100] =	vst v63  }
0x15: {  	(ifvalue) =	ssetifvalue $0x7FFFFFFF;
	s14 =	sadd.s32 $0x10, s14  }
0x16: {  	[tilespmem:s14], [sflag:$0x1] =	stream.indirect_vreg.gather [hbm4b:s2+s10], $0x1, v0, vm0, $0x4038;
	[tilespmem:$0x100] =	vst v63  }
0x17: {  	_ =	swait.ge [sflag:s6], $0x40  }
0x18: {  	s30 =	sshrl.u32 s13, $0x3;
	[sflag:s6] =	ssyncset.done $0x0  }
0x19: {  	s31 =	sand.u32 $0x7, s13;
	s14 =	sadd.s32 s5, s30;
	[sflag:s6] =	ssyncadd.s32 $0xFFFFFFC0  }
0x1a: {  	[hbm4b:s14+s31] =	stream.linear.scatter [tilespmem:s15], [sflag:$0x3], $0x40, $0x38;
	[tilespmem:$0x100] =	vst v63  }
.LBB2_5:
0x1b: {  	s15 =	sadd.s32 $0x800, s11  }
0x1c: {  	p2 =	sgt.s32 s15, $0xFFF  }
0x1d: {  	s15 =	smov.u32 @p2 s3;
	p2 =	sne.s32 s12, s9  }
.Ltmp1:
0x1e: {  	p1 =	slt.u32 s12, $0x2;
	(pc) =	sbr.rel @!p2 .LBB2_6-.Ltmp1, $4  }
0x1f: {  	s14 =	simm.s32 @!p1 $0x3  }
0x20: {  	s16 =	sadd.s32 $0x1, s12;
	_ =	swait.ge @!p1 [sflag:s14], $0x40  }
0x21: {  	s13 =	smov.u32 s11;
	p0 =	por !p0, !p0;
	[sflag:s14] =	ssyncset.done @!p1 $0x0  }
0x22: {  	s12 =	smov.u32 s16;
	s11 =	smov.u32 s15;
	[sflag:s14] =	ssyncadd.s32 @!p1 $0xFFFFFFC0  }
.LBB2_1:
0x23: {  	p1 =	sge.u32 s12, s8  }
0x24: {  	s14 =	sxor.u32 @!p1 $0xFFFFFFFF, s12  }
0x25: {  	s31 =	sadd.s32 $0xFFFFFFFF, s12;
	s15 =	sshrl.u32 @!p1 s11, $0x3;
	s14 =	sshll.u32 @!p1 s14, $0x6  }
0x26: {  	s16 =	sand.u32 @!p1 $0x7, s11;
	s15 =	sadd.s32 @!p1 s4, s15;
	s14 =	sand.u32 @!p1 $0x40, s14  }
0x27: {  	[tilespmem:s14], [sflag:$0x2] =	stream.linear.gather @!p1 [hbm4b:s15+s16], $0x40, $0x38;
	[tilespmem:$0x100] =	vst v63  }
0x28: {  	p1 =	sge.u32 s31, s8  }
.Ltmp2:
0x29: {  	_ = 	snop;
	(pc) =	sbr.rel @p1 .LBB2_5-.Ltmp2, $1  }
0x2a: {  	_ =	sdelay $0x3  }
0x2b: {  	s14 =	simm.s32 $0x1  }
0x2c: {  	_ =	swait.ge [sflag:s7], $0x40;
	s14 =	simm.s32 @!p0 $0x0  }
0x2d: {  	[sflag:s7] =	ssyncset.done $0x0;
	s14 =	sshll.u32 s14, $0x6  }
0x2e: {  	[sflag:s7] =	ssyncadd.s32 $0xFFFFFFC0;
	(ifvalue) =	ssetifvalue $0x7FFFFFFF;
	v0 =	vld.msk [tilespmem:s14+$0x0 ss:$0x1], $0xffff;
	_ =	sdelay $0x4  }
0x2f: {  	s15 =	sadd.s32 $0x10, s14;
	v1 =	vshrl.u32 v0, $0xB  }
0x30: {  	v2 =	vld.msk [tilespmem:s15+$0x0 ss:$0x1], $0xffff;
	vm1 =	veq.s32 v0, $0x80000000;
	v0 =	vand.u32 $0x7FF, v0;
	v1 =	vand.u32 $0xF, v1  }
0x31: {  	v0 =	vsel vm1, $0xFFFFFFFF, v0;
	v1 =	vsel vm1, $0xFFFFFFFF, v1  }
0x32: {  	v4 =	vshll.u32 v0, $0x3;
	v3 =	vshll.u32 v1, $0xB  }
0x33: {  	v4 =	vand.u32 $0xFFFFFC00, v4;
	v1 =	vshll.u32 v1, $0x7;
	v3 =	vand.u32 $0xFFFFC000, v3  }
0x34: {  	v0 =	vand.u32 $0x7F, v0;
	v1 =	vand.u32 $0x380, v1;
	v3 =	vadd.s32 v4, v3  }
0x35: {  	vm1 =	veq.s32 v2, $0x80000000;
	v1 =	vor.u32 v1, v3;
	v3 =	vshrl.u32 v2, $0xB  }
0x36: {  	s17 =	sadd.s32 $0x10, s15;
	v2 =	vand.u32 $0x7FF, v2;
	v1 =	vor.u32 v0, v1;
	v3 =	vand.u32 $0xF, v3  }
0x37: {  	v0 =	vld.msk [tilespmem:s17+$0x0 ss:$0x1], $0xffff;
	v2 =	vsel vm1, $0xFFFFFFFF, v2;
	v3 =	vsel vm1, $0xFFFFFFFF, v3  }
0x38: {  	v5 =	vshll.u32 v2, $0x3;
	v63 =	vshll.u32 v3, $0xB  }
0x39: {  	s31 =	sshll.u32 s12, $0x6;
	v5 =	vand.u32 $0xFFFFFC00, v5;
	v3 =	vshll.u32 v3, $0x7;
	v4 =	vand.u32 $0xFFFFC000, v63  }
0x3a: {  	s14 =	sor.u32 $0x80, s14;
	s15 =	sand.u32 $0x40, s31;
	(ifvalue) =	ssetifvalue $0x7FFFFFFF;
	v3 =	vand.u32 $0x380, v3;
	v4 =	vadd.s32 v5, v4  }
0x3b: {  	[tilespmem:s14], [sflag:$0x1] =	stream.indirect_vreg.gather [hbm4b:s2+s10], $0x1, v1, vm0, $0x4038;
	v1 =	vand.u32 $0x7F, v2;
	v3 =	vor.u32 v3, v4;
	[tilespmem:$0x100] =	vst v63  }
0x3c: {  	s16 =	simm.s32 $0x20;
	s15 =	sor.u32 $0x80, s15;
	s17 =	sadd.s32 $0x10, s17;
	v2 =	vshrl.u32 v0, $0xB;
	v1 =	vor.u32 v1, v3  }
.LBB2_3:
0x3d: {  	s16 =	sadd.s32 $0x10, s16;
	vm1 =	veq.s32 v0, $0x80000000;
	v3 =	vand.u32 $0x7FF, v0;
	v0 =	vld.msk [tilespmem:s17+$0x0 ss:$0x1], $0xffff;
	v2 =	vand.u32 $0xF, v2  }
0x3e: {  	p1 =	slt.u32 s16, $0x30;
	v3 =	vsel vm1, $0xFFFFFFFF, v3;
	v2 =	vsel vm1, $0xFFFFFFFF, v2  }
.Ltmp3:
0x3f: {  	v4 =	vshll.u32 v2, $0xB;
	v5 =	vshll.u32 v3, $0x3;
	(pc) =	sbr.rel @p1 .LBB2_3-.Ltmp3, $4  }
0x40: {  	s14 =	sadd.s32 $0x10, s14;
	v2 =	vshll.u32 v2, $0x7;
	v4 =	vand.u32 $0xFFFFC000, v4;
	v5 =	vand.u32 $0xFFFFFC00, v5;
	(ifvalue) =	ssetifvalue $0x7FFFFFFF  }
0x41: {  	v2 =	vand.u32 $0x380, v2;
	v4 =	vadd.s32 v5, v4;
	[tilespmem:s14], [sflag:$0x1] =	stream.indirect_vreg.gather [hbm4b:s2+s10], $0x1, v1, vm0, $0x4038;
	[tilespmem:$0x100] =	vst v63  }
0x42: {  	v1 =	vand.u32 $0x7F, v3;
	v3 =	vor.u32 v2, v4  }
0x43: {  	s17 =	sadd.s32 $0x10, s17;
	v2 =	vshrl.u32 v0, $0xB;
	v1 =	vor.u32 v1, v3  }
.Ltmp4:
0x44: {  	_ = 	snop;
	(pc) =	sbr.rel .LBB2_4-.Ltmp4, $1  }
0x45: {  	_ =	sdelay $0x3  }
.LBB2_6:
0x46: {  	_ =	sfence.sel $0x180000  }
0x47: {  	s2 =	simm.s32 $0x2;
	[bflag:$0x0] =	sbarrier.arrive $0xFFFF  }
0x48: {  	s30 =	simm.s32 $0x3;
	[sflag:s2] =	ssyncpa.u1 $0x1  }
0x49: {  	s31 =	simm.s32 $0x1;
	[sflag:s30] =	ssyncpa.u1 $0x1  }
0x4a: {  	[sflag:s31] =	ssyncpa.u1 $0x1  }
0x4b: {  	p0 =	sne.s32 s0, $0x0;
	_ =	strace $0x90000047  }
0x4c: {  	s0 =	sadd.s32 @!p0 $0x100000, s1;
	[bflag:$0x2] =	sbarrier.arrive $0xFFFF  }
0x4d: {  	[sflag:s0] =	ssyncadd.tile.s32 @!p0 $0x1;
	_ =	shalt  }
.Lfunc_end2:
_tile_overlayer_lowered:
.L_overlay_start_2:
0x4e: {  	(tag) =	ssettag $0x2  }
0x4f: {  	s0 =	rddreg [dreg:$0x0];
	s2 =	stileid.u32  }
0x50: {  	s1 =	rddreg [dreg:$0x1];
	p0 =	sne.s32 s2, $0x0  }
0x51: {  	s3 =	rddreg [dreg:$0x2];
	[bflag:$0x3] =	sbarrier.arrive $0xFFFF;
	s2 =	simm.s32 @!p0 $0x1C01  }
0x52: {  	[timem:s3], [sflag:s2] =	dma.local @!p0 [hbm:s0], s1  }
0x53: {  	s0 =	simm.s32 @!p0 $0x1  }
0x54: {  	_ =	swait.ge @!p0 [sflag:s0], s1  }
0x55: {  	s1 =	ssub.s32 @!p0 $0x0, s1;
	[sflag:s0] =	ssyncset.done @!p0 $0x0  }
0x56: {  	[sflag:s0] =	ssyncadd.s32 @!p0 s1  }
0x57: {  	[bflag:$0x3] =	sbarrier.arrive $0xFFFF  }
0x58: {  	_ =	shalt  }

// kernel: kernel.10.cloned.1.call-start
scs
__scs_entry_jumppad:
0x0: {  	(pc) =	sbr.rel $0x88, $3  }
0x1: {  	(tag) =	ssettag $0x0;
	lr =	simm.s32 $0x1  }
0x2: {  	[smem:$0x3F98] =	sst lr;
	_ =	strace $0xD0000000  }
0x3: {  	_ = 	snop  }
0x4: {  	_ = 	snop  }
0x5: {  	_ = 	snop  }
0x6: {  	_ = 	snop  }
0x7: {  	_ = 	snop  }
__scs_overlays_trampoline_lowered:
0x8: {  	[smem:$0x3FA7] =	sst s0  }
0x9: {  	[smem:$0x3FA8] =	sst s1  }
0xa: {  	[smem:$0x3FA9] =	sst s2  }
0xb: {  	[smem:$0x3FAA] =	sst s3  }
0xc: {  	[smem:$0x3FAB] =	sst s4  }
0xd: {  	[smem:$0x3FAC] =	sst s5  }
0xe: {  	[smem:$0x3FAD] =	sst s6  }
0xf: {  	[smem:$0x3FAE] =	sst s7  }
0x10: {  	[smem:$0x3FAF] =	sst s8  }
0x11: {  	[smem:$0x3FB0] =	sst s9;
	s0 =	simm.s32 @!p0 $0x0  }
0x12: {  	s1 =	sld [smem:$0x3F96];
	s0 =	simm.s32 @p0 $0x1  }
0x13: {  	[smem:$0x3FB1] =	sst s0;
	s0 =	simm.s32 @!p1 $0x0  }
0x14: {  	s2 =	sld [smem:$0x3F95];
	s0 =	simm.s32 @p1 $0x1  }
0x15: {  	[smem:$0x3FB2] =	sst s0;
	s0 =	simm.s32 @!p2 $0x0  }
0x16: {  	s3 =	sld [smem:$0x3FDB];
	s0 =	simm.s32 @p2 $0x1  }
0x17: {  	s4 =	simm.s32 $0x1BF5;
	[smem:$0x3FB4] =	sst s0  }
0x18: {  	s0 =	sld [smem:$0x3F97];
	_ =	swait.ge [sflag:s4], $0x0  }
0x19: {  	s7 =	sld [smem:$0x3F98]  }
0x1a: {  	s8 =	sadd.s32 $0xFFFFE003, lr  }
0x1b: {  	s9 =	sadd.s32 $0xFFFFFEF7, lr;
	s5 =	simm.s32 $0xFFFFFFFF;
	p2 =	slt.u32 s8, $0xFFFFF086  }
0x1c: {  	p1 =	slt.u32 s9, $0xF7A;
	s5 =	simm.s32 @!p2 $0x0  }
0x1d: {  	s5 =	simm.s32 @p1 $0x1;
	p0 =	seq.s32 s7, s2  }
0x1e: {  	s7 =	smul.u32 @!p0 $0xF7A, s2;
	p2 =	seq.s32 @!p0 s5, $0x0  }
0x1f: {  	s9 =	smul.u32 $0xF7A, s1;
	s8 =	simm.s32 @!p0 $0x1BF5;
	p2 =	por !p2, p0  }
0x20: {  	[sflag:s8] =	ssyncset.s32 @!p0 $0xFFFFF086;
	s6 =	sadd.s32 @!p0 s3, s7;
	s7 =	simm.s32 @!p0 $0x108  }
0x21: {  	s3 =	sadd.s32 s3, s9;
	s6 =	sadd.s32 @!p0 $0x88, s6;
	s7 =	simm.s32 @p2 $0x1082  }
0x22: {  	[simem:s7], [sflag:s8] =	dma.local @!p0 [hbm:s6], $0xF7A  }
0x23: {  	s9 =	sor.u32 $0xD0000000, s2;
	s6 =	simm.s32 $0x108;
	_ =	swait.ge @!p0 [sflag:s8], $0x0  }
0x24: {  	s3 =	sadd.s32 $0x88, s3;
	s6 =	simm.s32 @!p1 $0x1082;
	[sflag:s4] =	ssyncset.s32 $0xFFFFF086  }
0x25: {  	[simem:s6], [sflag:s4] =	dma.local [hbm:s3], $0xF7A  }
0x26: {  	[smem:$0x3F98] =	sst s1;
	(tag) =	ssettag s2;
	_ =	strace s9  }
0x27: {  	s1 =	sld [smem:$0x3FA8]  }
0x28: {  	s2 =	sld [smem:$0x3FA9]  }
0x29: {  	s4 =	sld [smem:$0x3FAB]  }
0x2a: {  	p0 =	seq.s32 s5, $0x0;
	s5 =	sld [smem:$0x3FAC]  }
0x2b: {  	s6 =	sld [smem:$0x3FAD]  }
0x2c: {  	s7 =	sld [smem:$0x3FAE]  }
0x2d: {  	s3 =	simm.s32 $0x108;
	s8 =	sld [smem:$0x3FAF]  }
0x2e: {  	s3 =	simm.s32 @!p0 $0x1082;
	s9 =	sld [smem:$0x3FB0]  }
0x2f: {  	lr =	sadd.s32 s0, s3;
	s0 =	sld [smem:$0x3FA7]  }
0x30: {  	s3 =	sld [smem:$0x3FAA]  }
0x31: {  	[smem:$0x3FB3] =	sst s10  }
0x32: {  	s10 =	sld [smem:$0x3FB1];
	_ =	sdelay $0x3  }
0x33: {  	p0 =	seq.s32 s10, $0x1;
	s10 =	sld [smem:$0x3FB3];
	_ =	sdelay $0x3  }
0x34: {  	[smem:$0x3FB3] =	sst s10  }
0x35: {  	s10 =	sld [smem:$0x3FB2];
	_ =	sdelay $0x3  }
0x36: {  	p1 =	seq.s32 s10, $0x1;
	s10 =	sld [smem:$0x3FB3];
	_ =	sdelay $0x3  }
0x37: {  	[smem:$0x3FB3] =	sst s10  }
0x38: {  	s10 =	sld [smem:$0x3FB4]  }
0x39: {  	_ = 	snop;
	(pc) =	sbr.ind lr, $3  }
0x3a: {  	_ = 	snop  }
0x3b: {  	_ = 	snop  }
0x3c: {  	p2 =	seq.s32 s10, $0x1;
	s10 =	sld [smem:$0x3FB3]  }
0x3d: {  	_ =	shalt  }
0x3e: {  	_ =	shalt  }
0x3f: {  	_ =	shalt  }
0x40: {  	_ =	shalt  }
0x41: {  	_ =	shalt  }
0x42: {  	_ =	shalt  }
0x43: {  	_ =	shalt  }
0x44: {  	_ =	shalt  }
0x45: {  	_ =	shalt  }
0x46: {  	_ =	shalt  }
0x47: {  	_ =	shalt  }
0x48: {  	_ =	shalt  }
0x49: {  	_ =	shalt  }
0x4a: {  	_ =	shalt  }
0x4b: {  	_ =	shalt  }
0x4c: {  	_ =	shalt  }
0x4d: {  	_ =	shalt  }
0x4e: {  	_ =	shalt  }
0x4f: {  	_ =	shalt  }
0x50: {  	_ =	shalt  }
0x51: {  	_ =	shalt  }
0x52: {  	_ =	shalt  }
0x53: {  	_ =	shalt  }
0x54: {  	_ =	shalt  }
0x55: {  	_ =	shalt  }
0x56: {  	_ =	shalt  }
0x57: {  	_ =	shalt  }
0x58: {  	_ =	shalt  }
0x59: {  	_ =	shalt  }
0x5a: {  	_ =	shalt  }
0x5b: {  	_ =	shalt  }
0x5c: {  	_ =	shalt  }
0x5d: {  	_ =	shalt  }
0x5e: {  	_ =	shalt  }
0x5f: {  	_ =	shalt  }
0x60: {  	_ =	shalt  }
0x61: {  	_ =	shalt  }
0x62: {  	_ =	shalt  }
0x63: {  	_ =	shalt  }
0x64: {  	_ =	shalt  }
0x65: {  	_ =	shalt  }
0x66: {  	_ =	shalt  }
0x67: {  	_ =	shalt  }
0x68: {  	_ =	shalt  }
0x69: {  	_ =	shalt  }
0x6a: {  	_ =	shalt  }
0x6b: {  	_ =	shalt  }
0x6c: {  	_ =	shalt  }
0x6d: {  	_ =	shalt  }
0x6e: {  	_ =	shalt  }
0x6f: {  	_ =	shalt  }
0x70: {  	_ =	shalt  }
0x71: {  	_ =	shalt  }
0x72: {  	_ =	shalt  }
0x73: {  	_ =	shalt  }
0x74: {  	_ =	shalt  }
0x75: {  	_ =	shalt  }
0x76: {  	_ =	shalt  }
0x77: {  	_ =	shalt  }
0x78: {  	_ =	shalt  }
0x79: {  	_ =	shalt  }
0x7a: {  	_ =	shalt  }
0x7b: {  	_ =	shalt  }
0x7c: {  	_ =	shalt  }
0x7d: {  	_ =	shalt  }
0x7e: {  	_ =	shalt  }
0x7f: {  	_ =	shalt  }
0x80: {  	_ =	shalt  }
0x81: {  	_ =	shalt  }
0x82: {  	_ =	shalt  }
0x83: {  	_ =	shalt  }
0x84: {  	_ =	shalt  }
0x85: {  	_ =	shalt  }
0x86: {  	_ =	shalt  }
0x87: {  	_ =	shalt  }
.Lfunc_end0:
.L_simem_size_0:
called_computation.2_lowered:
.L_overlay_start_0:
0x88: {  	s2 =	sld [smem:$0x3FD9]  }
0x89: {  	s3 =	sld [smem:$0x3FFE];
	_ =	sdelay $0x1  }
0x8a: {  	s1 =	srdreg.scid  }
0x8b: {  	s0 =	sand.u32 $0x1, s1  }
0x8c: {  	s17 =	sshll.u32 s0, $0xA;
	s2 =	sadd.s32 s3, s2  }
0x8d: {  	s2 =	sadd.s32 s2, s17  }
0x8e: {  	[smem:$0x3FBF] =	sst s2  }
0x8f: {  	_ = 	snop  }
0x90: {  	s2 =	sld [smem:$0x3FD0];
	(tm) =	ssettm $0x1  }
0x91: {  	s18 =	sld [smem:$0x3FFB];
	_ =	sdelay $0x3  }
0x92: {  	_ =	strace s18  }
0x93: {  	s3 =	sld [smem:$0x3FFC];
	_ =	sdelay $0x3  }
0x94: {  	_ =	strace s3  }
0x95: {  	s3 =	sld [smem:$0x3FFD];
	_ =	sdelay $0x3  }
0x96: {  	_ =	strace s3  }
0x97: {  	_ =	strace $0x8FFFFFFF  }
0x98: {  	s19 =	sld [smem:$0x3FDB];
	_ =	sdelay $0x1  }
0x99: {  	s4 =	simm.s32 $_scs_section_size  }
0x9a: {  	s5 =	simm.s32 $_size__tile_overlayer_lowered;
	s6 =	simm.s32 $_tile_overlayer_lowered  }
0x9b: {  	s22 =	simm.s32 $0x1BFF;
	s21 =	sshll.u32 s6, $0x1;
	s3 =	sadd.s32 s4, s19  }
0x9c: {  	s7 =	simm.s32 $0x0;
	s20 =	sshll.u32 s5, $0x1;
	s5 =	sadd.s32 s21, s3  }
0x9d: {  	[timem:s7], [sflag:s22] =	dma.local [hbm:s5], s20  }
0x9e: {  	_ =	swait.ge [sflag:s22], s20  }
0x9f: {  	s4 =	ssub.s32 $0x0, s20;
	[sflag:s22] =	ssyncset.done $0x0  }
0xa0: {  	[sflag:s22] =	ssyncadd.s32 s4;
	_ =	sdelay $0x1  }
0xa1: {  	s23 =	simm.s32 $0x1B8B  }
0xa2: {  	_ =	swait.ge [sflag:s23], $0x1  }
0xa3: {  	[sflag:s23] =	ssyncset.done $0x0  }
0xa4: {  	s25 =	simm.s32 $0x1B8E;
	s24 =	sld [smem:$0x3FFE];
	[sflag:s23] =	ssyncadd.s32 $0xFFFFFFFF  }
0xa5: {  	s26 =	simm.s32 $execute0_lowered;
	[smem:$0x3FD2] =	sst s25  }
0xa6: {  	s5 =	sshll.u32 s26, $0x1;
	_ =	strace $0x8000004C;
	[dreg:$0x1] =	wrdreg $0xFFFFFFFF  }
0xa7: {  	s28 =	simm.s32 $_size_execute0_lowered;
	s3 =	sadd.s32 s3, s5;
	[dreg:$0x0] =	wrdreg $0x0  }
0xa8: {  	s5 =	sshll.u32 s28, $0x1;
	[dreg:$0x2] =	wrdreg s3  }
0xa9: {  	[dreg:$0x3] =	wrdreg s5  }
0xaa: {  	[dreg:$0x4] =	wrdreg $0xC0  }
0xab: {  	_ =	task [dreg:s7], $0x5FFFF  }
0xac: {  	[dreg:$0x1] =	wrdreg $0xFFFFFFFF  }
0xad: {  	[dreg:$0x0] =	wrdreg $0x60  }
0xae: {  	[dreg:$0x2] =	wrdreg s24  }
0xaf: {  	[dreg:$0x3] =	wrdreg s2  }
0xb0: {  	[dreg:$0x4] =	wrdreg $0x9  }
0xb1: {  	_ =	task.clear_ibuf [dreg:s7], $0x5FFFF;
	_ =	strace $0x9000004C  }
0xb2: {  	s29 =	simm.s32 $0x9;
	_ =	strace $0x8000004E  }
0xb3: {  	_ =	swait.ge [sflag:s29], $0x1  }
0xb4: {  	[sflag:s29] =	ssyncadd.s32 $0xFFFFFFFF  }
0xb5: {  	_ =	strace $0x9000004E  }
0xb6: {  	_ =	sfence  }
0xb7: {  	s30 =	sld [smem:$0x0];
	_ =	sdelay $0x2  }
0xb8: {  	s31 =	sshll.u32 s1, $0xD;
	s1 =	sshrl.u32 s1, $0x2  }
0xb9: {  	s3 =	sand.u32 $0x4000, s31;
	s1 =	sadd.s32 s1, s30  }
0xba: {  	s0 =	sor.u32 s3, s0;
	s1 =	sshll.u32 s1, $0x11  }
0xbb: {  	s0 =	sor.u32 s1, s0  }
0xbc: {  	s0 =	sadd.s32 $0x8F2B, s0  }
0xbd: {  	[sflag:s0] =	ssyncadd.remote.s32 $0x1  }
0xbe: {  	_ =	sfence.sel $0xFFFF  }
0xbf: {  	[dreg:$0x0] =	wrdreg $0xFFFFFFFF;
	(pc) =	sbr.abs _section_cstart, $3  }
0xc0: {  	[dreg:$0x1] =	wrdreg $0xFFFFFFFF  }
0xc1: {  	_ =	task.clear_ibuf [dreg:s7], $0x2FFFF;
	_ =	strace $0x9FFFFFFF  }
0xc2: {  	(tm) =	ssettm $0x7FFFFFFF  }
0xc3: {  	_ =	shalt  }
tec
execute0_lowered:
.L_overlay_start_1:
0x0: {  	(tag) =	ssettag $0x1  }
0x1: {  	s0 =	rddreg [dreg:$0x0]  }
0x2: {  	s1 =	rddreg [dreg:$0x1]  }
0x3: {  	s2 =	simm.s32 $0x0;
	s3 =	srdreg.scid;
	s5 =	stileid.u32  }
0x4: {  	s18 =	simm.s32 $0x1;
	s20 =	simm.s32 $0x880;
	s21 =	simm.s32 $0x1080  }
0x5: {  	s22 =	simm.s32 $0x1880;
	s23 =	simm.s32 $0x2080;
	s24 =	simm.s32 $0x2880  }
0x6: {  	s28 =	simm.s32 $0x4080;
	s29 =	simm.s32 $0x4880;
	s30 =	simm.s32 $0x5080  }
0x7: {  	s31 =	simm.s32 $0x5880;
	s10 =	simm.s32 $0x7080;
	s11 =	simm.s32 $0x7880  }
0x8: {  	s12 =	simm.s32 $0x8080;
	s13 =	simm.s32 $0x8880;
	s14 =	simm.s32 $0x9080  }
0x9: {  	s15 =	simm.s32 $0x9880;
	s16 =	simm.s32 $0xA080;
	s17 =	simm.s32 $0xA880  }
0xa: {  	[smem:$0x7FF] =	sst s2;
	s4 =	sand.u32 $0x1, s3;
	s5 =	sshll.u32 s5, $0x7  }
0xb: {  	s3 =	sadd.s32 $0x100200, s0;
	s6 =	sshll.u32 s4, $0x6;
	s4 =	ssub.s32 $0x2, s4  }
0xc: {  	_ =	strace $0x8000004D;
	s5 =	sor.u32 s6, s5;
	s7 =	sshrl.u32 s4, $0x1  }
0xd: {  	s6 =	sshll.u32 s5, $0x7;
	s8 =	sshrl.u32 s5, $0x3;
	s7 =	ssub.s32 s4, s7  }
0xe: {  	s4 =	sadd.s32 $0x100300, s0;
	s5 =	sadd.s32 $0x100400, s0;
	s9 =	sadd.s32 s6, s0  }
0xf: {  	s25 =	sadd.s32 s0, s8;
	s1 =	sadd.s32 s1, s8;
	s7 =	smax.u32 s7, $0x1  }
0x10: {  	s8 =	simm.s32 $0x2;
	[dreg:$0x3] =	wrdreg s25;
	s6 =	sadd.s32 $0x200, s9  }
0x11: {  	v2 =	vlaneseq.u32;
	[dreg:$0x5] =	wrdreg s1;
	s26 =	sadd.s32 $0x40200, s9;
	s25 =	simm.s32 $0x3080  }
0x12: {  	vm0 =	vmmov $0xffff;
	v1 =	vshrl.u32 v2, $0x3;
	s9 =	simm.s32 $0xB080;
	[dreg:$0x4] =	wrdreg s6;
	s6 =	sadd.s32 $0x100500, s0  }
0x13: {  	v0 =	vand.u32 $0x7, v2;
	v2 =	vor.u32 $0x8, v2;
	v1 =	vmul.u32 $0x8, v1;
	[dreg:$0x6] =	wrdreg s26;
	s0 =	simm.s32 $0x80;
	s26 =	simm.s32 $0x3880  }
.LBB2_1:
0x14: {  	s19 =	rddreg [dreg:$0x3]  }
0x15: {  	[tilespmem:s2], [sflag:$0x2] =	stream.linear.gather [hbm4b:s19+s2], $0x40, $0x38;
	[tilespmem:$0x10080] =	vst v63  }
0x16: {  	_ =	swait.ge [sflag:s8], $0x40  }
0x17: {  	[sflag:s8] =	ssyncset.done $0x0  }
0x18: {  	[sflag:s8] =	ssyncadd.s32 $0xFFFFFFC0  }
0x19: {  	v3 =	vld [tilespmem:$0x0];
	_ =	sdelay $0x4  }
0x1a: {  	v4 =	vshll.u32 v3, $0x3  }
0x1b: {  	v3 =	vand.u32 $0x7, v3;
	v4 =	vand.u32 $0xFFFFFFC0, v4  }
0x1c: {  	v3 =	vor.u32 v3, v4  }
0x1d: {  	v4 =	vperm.xlane v3, v0;
	_ =	sdelay $0x1  }
0x1e: {  	v4 =	vadd.s32 v1, v4;
	_ =	sdelay $0x4  }
0x1f: {  	[tilespmem:s0], [sflag:$0x1] =	stream.indirect_vreg.gather [hbm4b:s3+s2], $0x80, v4, vm0, $0xb8;
	[tilespmem:$0x10080] =	vst v63  }
0x20: {  	v3 =	vperm.xlane v3, v2  }
0x21: {  	[tilespmem:s20], [sflag:$0x1] =	stream.indirect_vreg.gather [hbm4b:s4+s2], $0x80, v4, vm0, $0xb8;
	[tilespmem:$0x10080] =	vst v63  }
0x22: {  	v3 =	vadd.s32 v1, v3  }
0x23: {  	[tilespmem:s21], [sflag:$0x1] =	stream.indirect_vreg.gather [hbm4b:s5+s2], $0x80, v4, vm0, $0xb8;
	[tilespmem:$0x10080] =	vst v63  }
0x24: {  	_ = 	snop  }
0x25: {  	[tilespmem:s22], [sflag:$0x1] =	stream.indirect_vreg.gather [hbm4b:s6+s2], $0x80, v4, vm0, $0xb8;
	[tilespmem:$0x10080] =	vst v63  }
0x26: {  	_ = 	snop  }
0x27: {  	[tilespmem:s23], [sflag:$0x1] =	stream.indirect_vreg.gather [hbm4b:s3+s2], $0x80, v3, vm0, $0xb8;
	[tilespmem:$0x10080] =	vst v63  }
0x28: {  	_ = 	snop  }
0x29: {  	[tilespmem:s24], [sflag:$0x1] =	stream.indirect_vreg.gather [hbm4b:s4+s2], $0x80, v3, vm0, $0xb8;
	[tilespmem:$0x10080] =	vst v63  }
0x2a: {  	_ = 	snop  }
0x2b: {  	[tilespmem:s25], [sflag:$0x1] =	stream.indirect_vreg.gather [hbm4b:s5+s2], $0x80, v3, vm0, $0xb8;
	[tilespmem:$0x10080] =	vst v63  }
0x2c: {  	_ = 	snop  }
0x2d: {  	[tilespmem:s26], [sflag:$0x1] =	stream.indirect_vreg.gather [hbm4b:s6+s2], $0x80, v3, vm0, $0xb8;
	[tilespmem:$0x10080] =	vst v63  }
0x2e: {  	v3 =	vld [tilespmem:$0x10];
	_ =	sdelay $0x4  }
0x2f: {  	v57 =	vshll.u32 v3, $0x3  }
0x30: {  	v3 =	vand.u32 $0x7, v3;
	v4 =	vand.u32 $0xFFFFFFC0, v57  }
0x31: {  	v3 =	vor.u32 v3, v4  }
0x32: {  	v4 =	vperm.xlane v3, v0;
	_ =	sdelay $0x1  }
0x33: {  	v4 =	vadd.s32 v1, v4;
	_ =	sdelay $0x4  }
0x34: {  	[tilespmem:s28], [sflag:$0x1] =	stream.indirect_vreg.gather [hbm4b:s3+s2], $0x80, v4, vm0, $0xb8;
	[tilespmem:$0x10080] =	vst v63  }
0x35: {  	v3 =	vperm.xlane v3, v2  }
0x36: {  	[tilespmem:s29], [sflag:$0x1] =	stream.indirect_vreg.gather [hbm4b:s4+s2], $0x80, v4, vm0, $0xb8;
	[tilespmem:$0x10080] =	vst v63  }
0x37: {  	v3 =	vadd.s32 v1, v3  }
0x38: {  	[tilespmem:s30], [sflag:$0x1] =	stream.indirect_vreg.gather [hbm4b:s5+s2], $0x80, v4, vm0, $0xb8;
	[tilespmem:$0x10080] =	vst v63  }
0x39: {  	_ = 	snop  }
0x3a: {  	[tilespmem:s31], [sflag:$0x1] =	stream.indirect_vreg.gather [hbm4b:s6+s2], $0x80, v4, vm0, $0xb8;
	[tilespmem:$0x10080] =	vst v63  }
0x3b: {  	s1 =	simm.s32 $0x6080  }
0x3c: {  	[tilespmem:s1], [sflag:$0x1] =	stream.indirect_vreg.gather [hbm4b:s3+s2], $0x80, v3, vm0, $0xb8;
	[tilespmem:$0x10080] =	vst v63  }
0x3d: {  	s1 =	simm.s32 $0x6880  }
0x3e: {  	[tilespmem:s1], [sflag:$0x1] =	stream.indirect_vreg.gather [hbm4b:s4+s2], $0x80, v3, vm0, $0xb8;
	[tilespmem:$0x10080] =	vst v63  }
0x3f: {  	_ = 	snop  }
0x40: {  	[tilespmem:s10], [sflag:$0x1] =	stream.indirect_vreg.gather [hbm4b:s5+s2], $0x80, v3, vm0, $0xb8;
	[tilespmem:$0x10080] =	vst v63  }
0x41: {  	_ = 	snop  }
0x42: {  	[tilespmem:s11], [sflag:$0x1] =	stream.indirect_vreg.gather [hbm4b:s6+s2], $0x80, v3, vm0, $0xb8;
	[tilespmem:$0x10080] =	vst v63  }
0x43: {  	v3 =	vld [tilespmem:$0x20];
	_ =	sdelay $0x4  }
0x44: {  	v58 =	vshll.u32 v3, $0x3  }
0x45: {  	v3 =	vand.u32 $0x7, v3;
	v4 =	vand.u32 $0xFFFFFFC0, v58  }
0x46: {  	v3 =	vor.u32 v3, v4  }
0x47: {  	v4 =	vperm.xlane v3, v0;
	_ =	sdelay $0x1  }
0x48: {  	v4 =	vadd.s32 v1, v4;
	_ =	sdelay $0x4  }
0x49: {  	[tilespmem:s12], [sflag:$0x1] =	stream.indirect_vreg.gather [hbm4b:s3+s2], $0x80, v4, vm0, $0xb8;
	[tilespmem:$0x10080] =	vst v63  }
0x4a: {  	v3 =	vperm.xlane v3, v2  }
0x4b: {  	[tilespmem:s13], [sflag:$0x1] =	stream.indirect_vreg.gather [hbm4b:s4+s2], $0x80, v4, vm0, $0xb8;
	[tilespmem:$0x10080] =	vst v63  }
0x4c: {  	v3 =	vadd.s32 v1, v3  }
0x4d: {  	[tilespmem:s14], [sflag:$0x1] =	stream.indirect_vreg.gather [hbm4b:s5+s2], $0x80, v4, vm0, $0xb8;
	[tilespmem:$0x10080] =	vst v63  }
0x4e: {  	_ = 	snop  }
0x4f: {  	[tilespmem:s15], [sflag:$0x1] =	stream.indirect_vreg.gather [hbm4b:s6+s2], $0x80, v4, vm0, $0xb8;
	[tilespmem:$0x10080] =	vst v63  }
0x50: {  	_ = 	snop  }
0x51: {  	[tilespmem:s16], [sflag:$0x1] =	stream.indirect_vreg.gather [hbm4b:s3+s2], $0x80, v3, vm0, $0xb8;
	[tilespmem:$0x10080] =	vst v63  }
0x52: {  	_ = 	snop  }
0x53: {  	[tilespmem:s17], [sflag:$0x1] =	stream.indirect_vreg.gather [hbm4b:s4+s2], $0x80, v3, vm0, $0xb8;
	[tilespmem:$0x10080] =	vst v63  }
0x54: {  	_ = 	snop  }
0x55: {  	[tilespmem:s9], [sflag:$0x1] =	stream.indirect_vreg.gather [hbm4b:s5+s2], $0x80, v3, vm0, $0xb8;
	[tilespmem:$0x10080] =	vst v63  }
0x56: {  	s19 =	simm.s32 $0xB880  }
0x57: {  	[tilespmem:s19], [sflag:$0x1] =	stream.indirect_vreg.gather [hbm4b:s6+s2], $0x80, v3, vm0, $0xb8;
	[tilespmem:$0x10080] =	vst v63  }
0x58: {  	v3 =	vld [tilespmem:$0x30];
	_ =	sdelay $0x4  }
0x59: {  	v59 =	vshll.u32 v3, $0x3  }
0x5a: {  	v3 =	vand.u32 $0x7, v3;
	v4 =	vand.u32 $0xFFFFFFC0, v59  }
0x5b: {  	v3 =	vor.u32 v3, v4  }
0x5c: {  	v4 =	vperm.xlane v3, v0;
	_ =	sdelay $0x1  }
0x5d: {  	v4 =	vadd.s32 v1, v4;
	_ =	sdelay $0x3  }
0x5e: {  	s19 =	simm.s32 $0xC080  }
0x5f: {  	[tilespmem:s19], [sflag:$0x1] =	stream.indirect_vreg.gather [hbm4b:s3+s2], $0x80, v4, vm0, $0xb8;
	[tilespmem:$0x10080] =	vst v63  }
0x60: {  	v3 =	vperm.xlane v3, v2;
	s19 =	simm.s32 $0xC880  }
0x61: {  	[tilespmem:s19], [sflag:$0x1] =	stream.indirect_vreg.gather [hbm4b:s4+s2], $0x80, v4, vm0, $0xb8;
	[tilespmem:$0x10080] =	vst v63  }
0x62: {  	v3 =	vadd.s32 v1, v3;
	s19 =	simm.s32 $0xD080  }
0x63: {  	[tilespmem:s19], [sflag:$0x1] =	stream.indirect_vreg.gather [hbm4b:s5+s2], $0x80, v4, vm0, $0xb8;
	[tilespmem:$0x10080] =	vst v63  }
0x64: {  	s19 =	simm.s32 $0xD880  }
0x65: {  	[tilespmem:s19], [sflag:$0x1] =	stream.indirect_vreg.gather [hbm4b:s6+s2], $0x80, v4, vm0, $0xb8;
	[tilespmem:$0x10080] =	vst v63  }
0x66: {  	s19 =	simm.s32 $0xE080  }
0x67: {  	[tilespmem:s19], [sflag:$0x1] =	stream.indirect_vreg.gather [hbm4b:s3+s2], $0x80, v3, vm0, $0xb8;
	[tilespmem:$0x10080] =	vst v63  }
0x68: {  	s19 =	simm.s32 $0xE880  }
0x69: {  	[tilespmem:s19], [sflag:$0x1] =	stream.indirect_vreg.gather [hbm4b:s4+s2], $0x80, v3, vm0, $0xb8;
	[tilespmem:$0x10080] =	vst v63  }
0x6a: {  	s19 =	simm.s32 $0xF080  }
0x6b: {  	[tilespmem:s19], [sflag:$0x1] =	stream.indirect_vreg.gather [hbm4b:s5+s2], $0x80, v3, vm0, $0xb8;
	[tilespmem:$0x10080] =	vst v63  }
0x6c: {  	s19 =	simm.s32 $0xF880  }
0x6d: {  	[tilespmem:s19], [sflag:$0x1] =	stream.indirect_vreg.gather [hbm4b:s6+s2], $0x80, v3, vm0, $0xb8;
	[tilespmem:$0x10080] =	vst v63  }
0x6e: {  	_ =	swait.ge [sflag:s18], $0x10000  }
0x6f: {  	[sflag:s18] =	ssyncset.done $0x0  }
0x70: {  	s19 =	rddreg [dreg:$0x4];
	[sflag:s18] =	ssyncadd.s32 $0xFFFF0000  }
0x71: {  	[hbm4b:s19+s2] =	stream.linear.scatter [tilespmem:s0], [sflag:$0x2], $0x10000, $0x38;
	[tilespmem:$0x10080] =	vst v63  }
0x72: {  	_ =	swait.ge [sflag:s8], $0x10000  }
0x73: {  	[sflag:s8] =	ssyncset.done $0x0  }
0x74: {  	s19 =	rddreg [dreg:$0x5];
	[sflag:s8] =	ssyncadd.s32 $0xFFFF0000  }
0x75: {  	[tilespmem:s2], [sflag:$0x2] =	stream.linear.gather [hbm4b:s19+s2], $0x40, $0x38;
	[tilespmem:$0x10080] =	vst v63  }
0x76: {  	_ =	swait.ge [sflag:s8], $0x40  }
0x77: {  	[sflag:s8] =	ssyncset.done $0x0  }
0x78: {  	[sflag:s8] =	ssyncadd.s32 $0xFFFFFFC0  }
0x79: {  	v3 =	vld [tilespmem:$0x0];
	_ =	sdelay $0x4  }
0x7a: {  	v60 =	vshll.u32 v3, $0x3  }
0x7b: {  	v3 =	vand.u32 $0x7, v3;
	v4 =	vand.u32 $0xFFFFFFC0, v60  }
0x7c: {  	v3 =	vor.u32 v3, v4  }
0x7d: {  	v4 =	vperm.xlane v3, v0;
	_ =	sdelay $0x1  }
0x7e: {  	v4 =	vadd.s32 v1, v4;
	_ =	sdelay $0x4  }
0x7f: {  	[tilespmem:s0], [sflag:$0x1] =	stream.indirect_vreg.gather [hbm4b:s3+s2], $0x80, v4, vm0, $0xb8;
	[tilespmem:$0x10080] =	vst v63  }
0x80: {  	v3 =	vperm.xlane v3, v2  }
0x81: {  	[tilespmem:s20], [sflag:$0x1] =	stream.indirect_vreg.gather [hbm4b:s4+s2], $0x80, v4, vm0, $0xb8;
	[tilespmem:$0x10080] =	vst v63  }
0x82: {  	v3 =	vadd.s32 v1, v3  }
0x83: {  	[tilespmem:s21], [sflag:$0x1] =	stream.indirect_vreg.gather [hbm4b:s5+s2], $0x80, v4, vm0, $0xb8;
	[tilespmem:$0x10080] =	vst v63  }
0x84: {  	_ = 	snop  }
0x85: {  	[tilespmem:s22], [sflag:$0x1] =	stream.indirect_vreg.gather [hbm4b:s6+s2], $0x80, v4, vm0, $0xb8;
	[tilespmem:$0x10080] =	vst v63  }
0x86: {  	_ = 	snop  }
0x87: {  	[tilespmem:s23], [sflag:$0x1] =	stream.indirect_vreg.gather [hbm4b:s3+s2], $0x80, v3, vm0, $0xb8;
	[tilespmem:$0x10080] =	vst v63  }
0x88: {  	_ = 	snop  }
0x89: {  	[tilespmem:s24], [sflag:$0x1] =	stream.indirect_vreg.gather [hbm4b:s4+s2], $0x80, v3, vm0, $0xb8;
	[tilespmem:$0x10080] =	vst v63  }
0x8a: {  	_ = 	snop  }
0x8b: {  	[tilespmem:s25], [sflag:$0x1] =	stream.indirect_vreg.gather [hbm4b:s5+s2], $0x80, v3, vm0, $0xb8;
	[tilespmem:$0x10080] =	vst v63  }
0x8c: {  	_ = 	snop  }
0x8d: {  	[tilespmem:s26], [sflag:$0x1] =	stream.indirect_vreg.gather [hbm4b:s6+s2], $0x80, v3, vm0, $0xb8;
	[tilespmem:$0x10080] =	vst v63  }
0x8e: {  	v3 =	vld [tilespmem:$0x10];
	_ =	sdelay $0x4  }
0x8f: {  	v61 =	vshll.u32 v3, $0x3  }
0x90: {  	v3 =	vand.u32 $0x7, v3;
	v4 =	vand.u32 $0xFFFFFFC0, v61  }
0x91: {  	v3 =	vor.u32 v3, v4  }
0x92: {  	v4 =	vperm.xlane v3, v0;
	_ =	sdelay $0x1  }
0x93: {  	v4 =	vadd.s32 v1, v4;
	_ =	sdelay $0x4  }
0x94: {  	[tilespmem:s28], [sflag:$0x1] =	stream.indirect_vreg.gather [hbm4b:s3+s2], $0x80, v4, vm0, $0xb8;
	[tilespmem:$0x10080] =	vst v63  }
0x95: {  	v3 =	vperm.xlane v3, v2  }
0x96: {  	[tilespmem:s29], [sflag:$0x1] =	stream.indirect_vreg.gather [hbm4b:s4+s2], $0x80, v4, vm0, $0xb8;
	[tilespmem:$0x10080] =	vst v63  }
0x97: {  	v3 =	vadd.s32 v1, v3  }
0x98: {  	[tilespmem:s30], [sflag:$0x1] =	stream.indirect_vreg.gather [hbm4b:s5+s2], $0x80, v4, vm0, $0xb8;
	[tilespmem:$0x10080] =	vst v63  }
0x99: {  	_ = 	snop  }
0x9a: {  	[tilespmem:s31], [sflag:$0x1] =	stream.indirect_vreg.gather [hbm4b:s6+s2], $0x80, v4, vm0, $0xb8;
	[tilespmem:$0x10080] =	vst v63  }
0x9b: {  	s19 =	simm.s32 $0x6080  }
0x9c: {  	[tilespmem:s19], [sflag:$0x1] =	stream.indirect_vreg.gather [hbm4b:s3+s2], $0x80, v3, vm0, $0xb8;
	[tilespmem:$0x10080] =	vst v63  }
0x9d: {  	_ = 	snop  }
0x9e: {  	[tilespmem:s1], [sflag:$0x1] =	stream.indirect_vreg.gather [hbm4b:s4+s2], $0x80, v3, vm0, $0xb8;
	[tilespmem:$0x10080] =	vst v63  }
0x9f: {  	_ = 	snop  }
0xa0: {  	[tilespmem:s10], [sflag:$0x1] =	stream.indirect_vreg.gather [hbm4b:s5+s2], $0x80, v3, vm0, $0xb8;
	[tilespmem:$0x10080] =	vst v63  }
0xa1: {  	_ = 	snop  }
0xa2: {  	[tilespmem:s11], [sflag:$0x1] =	stream.indirect_vreg.gather [hbm4b:s6+s2], $0x80, v3, vm0, $0xb8;
	[tilespmem:$0x10080] =	vst v63  }
0xa3: {  	v3 =	vld [tilespmem:$0x20];
	_ =	sdelay $0x4  }
0xa4: {  	v62 =	vshll.u32 v3, $0x3  }
0xa5: {  	v3 =	vand.u32 $0x7, v3;
	v4 =	vand.u32 $0xFFFFFFC0, v62  }
0xa6: {  	v3 =	vor.u32 v3, v4  }
0xa7: {  	v4 =	vperm.xlane v3, v0;
	_ =	sdelay $0x1  }
0xa8: {  	v4 =	vadd.s32 v1, v4;
	_ =	sdelay $0x4  }
0xa9: {  	[tilespmem:s12], [sflag:$0x1] =	stream.indirect_vreg.gather [hbm4b:s3+s2], $0x80, v4, vm0, $0xb8;
	[tilespmem:$0x10080] =	vst v63  }
0xaa: {  	v3 =	vperm.xlane v3, v2  }
0xab: {  	[tilespmem:s13], [sflag:$0x1] =	stream.indirect_vreg.gather [hbm4b:s4+s2], $0x80, v4, vm0, $0xb8;
	[tilespmem:$0x10080] =	vst v63  }
0xac: {  	v3 =	vadd.s32 v1, v3  }
0xad: {  	[tilespmem:s14], [sflag:$0x1] =	stream.indirect_vreg.gather [hbm4b:s5+s2], $0x80, v4, vm0, $0xb8;
	[tilespmem:$0x10080] =	vst v63  }
0xae: {  	_ = 	snop  }
0xaf: {  	[tilespmem:s15], [sflag:$0x1] =	stream.indirect_vreg.gather [hbm4b:s6+s2], $0x80, v4, vm0, $0xb8;
	[tilespmem:$0x10080] =	vst v63  }
0xb0: {  	_ = 	snop  }
0xb1: {  	[tilespmem:s16], [sflag:$0x1] =	stream.indirect_vreg.gather [hbm4b:s3+s2], $0x80, v3, vm0, $0xb8;
	[tilespmem:$0x10080] =	vst v63  }
0xb2: {  	_ = 	snop  }
0xb3: {  	[tilespmem:s17], [sflag:$0x1] =	stream.indirect_vreg.gather [hbm4b:s4+s2], $0x80, v3, vm0, $0xb8;
	[tilespmem:$0x10080] =	vst v63  }
0xb4: {  	_ = 	snop  }
0xb5: {  	[tilespmem:s9], [sflag:$0x1] =	stream.indirect_vreg.gather [hbm4b:s5+s2], $0x80, v3, vm0, $0xb8;
	[tilespmem:$0x10080] =	vst v63  }
0xb6: {  	s19 =	simm.s32 $0xB880  }
0xb7: {  	[tilespmem:s19], [sflag:$0x1] =	stream.indirect_vreg.gather [hbm4b:s6+s2], $0x80, v3, vm0, $0xb8;
	[tilespmem:$0x10080] =	vst v63  }
0xb8: {  	v3 =	vld [tilespmem:$0x30];
	_ =	sdelay $0x4  }
0xb9: {  	v63 =	vshll.u32 v3, $0x3  }
0xba: {  	v3 =	vand.u32 $0x7, v3;
	v4 =	vand.u32 $0xFFFFFFC0, v63  }
0xbb: {  	v3 =	vor.u32 v3, v4  }
0xbc: {  	v4 =	vperm.xlane v3, v0;
	_ =	sdelay $0x1  }
0xbd: {  	v4 =	vadd.s32 v1, v4;
	_ =	sdelay $0x3  }
0xbe: {  	s19 =	simm.s32 $0xC080  }
0xbf: {  	[tilespmem:s19], [sflag:$0x1] =	stream.indirect_vreg.gather [hbm4b:s3+s2], $0x80, v4, vm0, $0xb8;
	[tilespmem:$0x10080] =	vst v63  }
0xc0: {  	v3 =	vperm.xlane v3, v2;
	s19 =	simm.s32 $0xC880  }
0xc1: {  	[tilespmem:s19], [sflag:$0x1] =	stream.indirect_vreg.gather [hbm4b:s4+s2], $0x80, v4, vm0, $0xb8;
	[tilespmem:$0x10080] =	vst v63  }
0xc2: {  	v3 =	vadd.s32 v1, v3;
	s19 =	simm.s32 $0xD080  }
0xc3: {  	[tilespmem:s19], [sflag:$0x1] =	stream.indirect_vreg.gather [hbm4b:s5+s2], $0x80, v4, vm0, $0xb8;
	[tilespmem:$0x10080] =	vst v63  }
0xc4: {  	s19 =	simm.s32 $0xD880  }
0xc5: {  	[tilespmem:s19], [sflag:$0x1] =	stream.indirect_vreg.gather [hbm4b:s6+s2], $0x80, v4, vm0, $0xb8;
	[tilespmem:$0x10080] =	vst v63  }
0xc6: {  	s19 =	simm.s32 $0xE080  }
0xc7: {  	[tilespmem:s19], [sflag:$0x1] =	stream.indirect_vreg.gather [hbm4b:s3+s2], $0x80, v3, vm0, $0xb8;
	[tilespmem:$0x10080] =	vst v63  }
0xc8: {  	s19 =	simm.s32 $0xE880  }
0xc9: {  	[tilespmem:s19], [sflag:$0x1] =	stream.indirect_vreg.gather [hbm4b:s4+s2], $0x80, v3, vm0, $0xb8;
	[tilespmem:$0x10080] =	vst v63  }
0xca: {  	s19 =	simm.s32 $0xF080  }
0xcb: {  	[tilespmem:s19], [sflag:$0x1] =	stream.indirect_vreg.gather [hbm4b:s5+s2], $0x80, v3, vm0, $0xb8;
	[tilespmem:$0x10080] =	vst v63  }
0xcc: {  	s19 =	simm.s32 $0xF880  }
0xcd: {  	[tilespmem:s19], [sflag:$0x1] =	stream.indirect_vreg.gather [hbm4b:s6+s2], $0x80, v3, vm0, $0xb8;
	[tilespmem:$0x10080] =	vst v63  }
0xce: {  	_ =	swait.ge [sflag:s18], $0x10000  }
0xcf: {  	p0 =	sne.s32 s7, $0x1;
	[sflag:s18] =	ssyncset.done $0x0  }
.Ltmp0:
0xd0: {  	s1 =	rddreg [dreg:$0x6];
	[sflag:s18] =	ssyncadd.s32 $0xFFFF0000;
	(pc) =	sbr.rel @p0 .LBB2_1-.Ltmp0, $4  }
0xd1: {  	[hbm4b:s1+s2] =	stream.linear.scatter [tilespmem:s0], [sflag:$0x2], $0x10000, $0x38;
	[tilespmem:$0x10080] =	vst v63  }
0xd2: {  	_ =	swait.ge [sflag:s8], $0x10000  }
0xd3: {  	[sflag:s8] =	ssyncset.done $0x0  }
0xd4: {  	s7 =	sadd.s32 $0xFFFFFFFF, s7;
	[sflag:s8] =	ssyncadd.s32 $0xFFFF0000  }
0xd5: {  	_ =	sfence.sel $0x180000  }
0xd6: {  	[bflag:$0x0] =	sbarrier.arrive $0xFFFF  }
0xd7: {  	_ =	strace $0x9000004D  }
0xd8: {  	s0 =	stileid.u32;
	[bflag:$0x2] =	sbarrier.arrive $0xFFFF  }
0xd9: {  	p0 =	sne.s32 s0, $0x0;
	s0 =	rddreg [dreg:$0x2]  }
0xda: {  	s0 =	sadd.s32 @!p0 $0x100000, s0  }
0xdb: {  	[sflag:s0] =	ssyncadd.tile.s32 @!p0 $0x1;
	_ =	shalt  }
.Lfunc_end2:
_tile_overlayer_lowered:
.L_overlay_start_2:
0xdc: {  	(tag) =	ssettag $0x2  }
0xdd: {  	s0 =	rddreg [dreg:$0x0];
	s2 =	stileid.u32  }
0xde: {  	s1 =	rddreg [dreg:$0x1];
	p0 =	sne.s32 s2, $0x0  }
0xdf: {  	s3 =	rddreg [dreg:$0x2];
	[bflag:$0x3] =	sbarrier.arrive $0xFFFF;
	s2 =	simm.s32 @!p0 $0x1C02  }
0xe0: {  	[timem:s3], [sflag:s2] =	dma.local @!p0 [hbm:s0], s1  }
0xe1: {  	s0 =	simm.s32 @!p0 $0x2  }
0xe2: {  	_ =	swait.ge @!p0 [sflag:s0], s1  }
0xe3: {  	s1 =	ssub.s32 @!p0 $0x0, s1;
	[sflag:s0] =	ssyncset.done @!p0 $0x0  }
0xe4: {  	[sflag:s0] =	ssyncadd.s32 @!p0 s1  }
0xe5: {  	[bflag:$0x3] =	sbarrier.arrive $0xFFFF  }
0xe6: {  	_ =	shalt  }

// kernel: kernel.7.cloned.1.call-start
scs
__scs_entry_jumppad:
0x0: {  	(pc) =	sbr.rel $0x88, $3  }
0x1: {  	(tag) =	ssettag $0x0;
	lr =	simm.s32 $0x1  }
0x2: {  	[smem:$0x3F98] =	sst lr;
	_ =	strace $0xD0000000  }
0x3: {  	_ = 	snop  }
0x4: {  	_ = 	snop  }
0x5: {  	_ = 	snop  }
0x6: {  	_ = 	snop  }
0x7: {  	_ = 	snop  }
__scs_overlays_trampoline_lowered:
0x8: {  	[smem:$0x3FA7] =	sst s0  }
0x9: {  	[smem:$0x3FA8] =	sst s1  }
0xa: {  	[smem:$0x3FA9] =	sst s2  }
0xb: {  	[smem:$0x3FAA] =	sst s3  }
0xc: {  	[smem:$0x3FAB] =	sst s4  }
0xd: {  	[smem:$0x3FAC] =	sst s5  }
0xe: {  	[smem:$0x3FAD] =	sst s6  }
0xf: {  	[smem:$0x3FAE] =	sst s7  }
0x10: {  	[smem:$0x3FAF] =	sst s8  }
0x11: {  	[smem:$0x3FB0] =	sst s9;
	s0 =	simm.s32 @!p0 $0x0  }
0x12: {  	s1 =	sld [smem:$0x3F96];
	s0 =	simm.s32 @p0 $0x1  }
0x13: {  	[smem:$0x3FB1] =	sst s0;
	s0 =	simm.s32 @!p1 $0x0  }
0x14: {  	s2 =	sld [smem:$0x3F95];
	s0 =	simm.s32 @p1 $0x1  }
0x15: {  	[smem:$0x3FB2] =	sst s0;
	s0 =	simm.s32 @!p2 $0x0  }
0x16: {  	s3 =	sld [smem:$0x3FDB];
	s0 =	simm.s32 @p2 $0x1  }
0x17: {  	s4 =	simm.s32 $0x1BF5;
	[smem:$0x3FB4] =	sst s0  }
0x18: {  	s0 =	sld [smem:$0x3F97];
	_ =	swait.ge [sflag:s4], $0x0  }
0x19: {  	s7 =	sld [smem:$0x3F98]  }
0x1a: {  	s8 =	sadd.s32 $0xFFFFE003, lr  }
0x1b: {  	s9 =	sadd.s32 $0xFFFFFEF7, lr;
	s5 =	simm.s32 $0xFFFFFFFF;
	p2 =	slt.u32 s8, $0xFFFFF086  }
0x1c: {  	p1 =	slt.u32 s9, $0xF7A;
	s5 =	simm.s32 @!p2 $0x0  }
0x1d: {  	s5 =	simm.s32 @p1 $0x1;
	p0 =	seq.s32 s7, s2  }
0x1e: {  	s7 =	smul.u32 @!p0 $0xF7A, s2;
	p2 =	seq.s32 @!p0 s5, $0x0  }
0x1f: {  	s9 =	smul.u32 $0xF7A, s1;
	s8 =	simm.s32 @!p0 $0x1BF5;
	p2 =	por !p2, p0  }
0x20: {  	[sflag:s8] =	ssyncset.s32 @!p0 $0xFFFFF086;
	s6 =	sadd.s32 @!p0 s3, s7;
	s7 =	simm.s32 @!p0 $0x108  }
0x21: {  	s3 =	sadd.s32 s3, s9;
	s6 =	sadd.s32 @!p0 $0x88, s6;
	s7 =	simm.s32 @p2 $0x1082  }
0x22: {  	[simem:s7], [sflag:s8] =	dma.local @!p0 [hbm:s6], $0xF7A  }
0x23: {  	s9 =	sor.u32 $0xD0000000, s2;
	s6 =	simm.s32 $0x108;
	_ =	swait.ge @!p0 [sflag:s8], $0x0  }
0x24: {  	s3 =	sadd.s32 $0x88, s3;
	s6 =	simm.s32 @!p1 $0x1082;
	[sflag:s4] =	ssyncset.s32 $0xFFFFF086  }
0x25: {  	[simem:s6], [sflag:s4] =	dma.local [hbm:s3], $0xF7A  }
0x26: {  	[smem:$0x3F98] =	sst s1;
	(tag) =	ssettag s2;
	_ =	strace s9  }
0x27: {  	s1 =	sld [smem:$0x3FA8]  }
0x28: {  	s2 =	sld [smem:$0x3FA9]  }
0x29: {  	s4 =	sld [smem:$0x3FAB]  }
0x2a: {  	p0 =	seq.s32 s5, $0x0;
	s5 =	sld [smem:$0x3FAC]  }
0x2b: {  	s6 =	sld [smem:$0x3FAD]  }
0x2c: {  	s7 =	sld [smem:$0x3FAE]  }
0x2d: {  	s3 =	simm.s32 $0x108;
	s8 =	sld [smem:$0x3FAF]  }
0x2e: {  	s3 =	simm.s32 @!p0 $0x1082;
	s9 =	sld [smem:$0x3FB0]  }
0x2f: {  	lr =	sadd.s32 s0, s3;
	s0 =	sld [smem:$0x3FA7]  }
0x30: {  	s3 =	sld [smem:$0x3FAA]  }
0x31: {  	[smem:$0x3FB3] =	sst s10  }
0x32: {  	s10 =	sld [smem:$0x3FB1];
	_ =	sdelay $0x3  }
0x33: {  	p0 =	seq.s32 s10, $0x1;
	s10 =	sld [smem:$0x3FB3];
	_ =	sdelay $0x3  }
0x34: {  	[smem:$0x3FB3] =	sst s10  }
0x35: {  	s10 =	sld [smem:$0x3FB2];
	_ =	sdelay $0x3  }
0x36: {  	p1 =	seq.s32 s10, $0x1;
	s10 =	sld [smem:$0x3FB3];
	_ =	sdelay $0x3  }
0x37: {  	[smem:$0x3FB3] =	sst s10  }
0x38: {  	s10 =	sld [smem:$0x3FB4]  }
0x39: {  	_ = 	snop;
	(pc) =	sbr.ind lr, $3  }
0x3a: {  	_ = 	snop  }
0x3b: {  	_ = 	snop  }
0x3c: {  	p2 =	seq.s32 s10, $0x1;
	s10 =	sld [smem:$0x3FB3]  }
0x3d: {  	_ =	shalt  }
0x3e: {  	_ =	shalt  }
0x3f: {  	_ =	shalt  }
0x40: {  	_ =	shalt  }
0x41: {  	_ =	shalt  }
0x42: {  	_ =	shalt  }
0x43: {  	_ =	shalt  }
0x44: {  	_ =	shalt  }
0x45: {  	_ =	shalt  }
0x46: {  	_ =	shalt  }
0x47: {  	_ =	shalt  }
0x48: {  	_ =	shalt  }
0x49: {  	_ =	shalt  }
0x4a: {  	_ =	shalt  }
0x4b: {  	_ =	shalt  }
0x4c: {  	_ =	shalt  }
0x4d: {  	_ =	shalt  }
0x4e: {  	_ =	shalt  }
0x4f: {  	_ =	shalt  }
0x50: {  	_ =	shalt  }
0x51: {  	_ =	shalt  }
0x52: {  	_ =	shalt  }
0x53: {  	_ =	shalt  }
0x54: {  	_ =	shalt  }
0x55: {  	_ =	shalt  }
0x56: {  	_ =	shalt  }
0x57: {  	_ =	shalt  }
0x58: {  	_ =	shalt  }
0x59: {  	_ =	shalt  }
0x5a: {  	_ =	shalt  }
0x5b: {  	_ =	shalt  }
0x5c: {  	_ =	shalt  }
0x5d: {  	_ =	shalt  }
0x5e: {  	_ =	shalt  }
0x5f: {  	_ =	shalt  }
0x60: {  	_ =	shalt  }
0x61: {  	_ =	shalt  }
0x62: {  	_ =	shalt  }
0x63: {  	_ =	shalt  }
0x64: {  	_ =	shalt  }
0x65: {  	_ =	shalt  }
0x66: {  	_ =	shalt  }
0x67: {  	_ =	shalt  }
0x68: {  	_ =	shalt  }
0x69: {  	_ =	shalt  }
0x6a: {  	_ =	shalt  }
0x6b: {  	_ =	shalt  }
0x6c: {  	_ =	shalt  }
0x6d: {  	_ =	shalt  }
0x6e: {  	_ =	shalt  }
0x6f: {  	_ =	shalt  }
0x70: {  	_ =	shalt  }
0x71: {  	_ =	shalt  }
0x72: {  	_ =	shalt  }
0x73: {  	_ =	shalt  }
0x74: {  	_ =	shalt  }
0x75: {  	_ =	shalt  }
0x76: {  	_ =	shalt  }
0x77: {  	_ =	shalt  }
0x78: {  	_ =	shalt  }
0x79: {  	_ =	shalt  }
0x7a: {  	_ =	shalt  }
0x7b: {  	_ =	shalt  }
0x7c: {  	_ =	shalt  }
0x7d: {  	_ =	shalt  }
0x7e: {  	_ =	shalt  }
0x7f: {  	_ =	shalt  }
0x80: {  	_ =	shalt  }
0x81: {  	_ =	shalt  }
0x82: {  	_ =	shalt  }
0x83: {  	_ =	shalt  }
0x84: {  	_ =	shalt  }
0x85: {  	_ =	shalt  }
0x86: {  	_ =	shalt  }
0x87: {  	_ =	shalt  }
.Lfunc_end0:
.L_simem_size_0:
called_computation.1_lowered:
.L_overlay_start_0:
0x88: {  	s2 =	sld [smem:$0x3FD9]  }
0x89: {  	s3 =	sld [smem:$0x3FFE];
	_ =	sdelay $0x1  }
0x8a: {  	s1 =	srdreg.scid  }
0x8b: {  	s0 =	sand.u32 $0x1, s1  }
0x8c: {  	s17 =	sshll.u32 s0, $0xA;
	s2 =	sadd.s32 s3, s2  }
0x8d: {  	s2 =	sadd.s32 s2, s17  }
0x8e: {  	[smem:$0x3FBF] =	sst s2  }
0x8f: {  	_ = 	snop  }
0x90: {  	s2 =	sld [smem:$0x3FC9]  }
0x91: {  	s18 =	sld [smem:$0x3FD0];
	(tm) =	ssettm $0x1  }
0x92: {  	s4 =	sld [smem:$0x3FFB];
	_ =	sdelay $0x3  }
0x93: {  	_ =	strace s4  }
0x94: {  	s4 =	sld [smem:$0x3FFC];
	_ =	sdelay $0x3  }
0x95: {  	_ =	strace s4  }
0x96: {  	s4 =	sld [smem:$0x3FFD];
	_ =	sdelay $0x3  }
0x97: {  	_ =	strace s4  }
0x98: {  	_ =	strace $0x8FFFFFFF  }
0x99: {  	s19 =	sld [smem:$0x3FDB];
	_ =	sdelay $0x1  }
0x9a: {  	s5 =	simm.s32 $_scs_section_size  }
0x9b: {  	s6 =	simm.s32 $_size__tile_overlayer_lowered;
	s7 =	simm.s32 $_tile_overlayer_lowered  }
0x9c: {  	s22 =	simm.s32 $0x1BFF;
	s21 =	sshll.u32 s7, $0x1;
	s4 =	sadd.s32 s5, s19  }
0x9d: {  	s8 =	simm.s32 $0x0;
	s20 =	sshll.u32 s6, $0x1;
	s6 =	sadd.s32 s21, s4  }
0x9e: {  	[timem:s8], [sflag:s22] =	dma.local [hbm:s6], s20  }
0x9f: {  	_ =	swait.ge [sflag:s22], s20  }
0xa0: {  	s5 =	ssub.s32 $0x0, s20;
	[sflag:s22] =	ssyncset.done $0x0  }
0xa1: {  	[sflag:s22] =	ssyncadd.s32 s5;
	_ =	sdelay $0x1  }
0xa2: {  	s23 =	simm.s32 $0x1B8B  }
0xa3: {  	_ =	swait.ge [sflag:s23], $0x1  }
0xa4: {  	[sflag:s23] =	ssyncset.done $0x0  }
0xa5: {  	s25 =	simm.s32 $0x1B8E;
	s24 =	sld [smem:$0x3FFE];
	[sflag:s23] =	ssyncadd.s32 $0xFFFFFFFF  }
0xa6: {  	s26 =	simm.s32 $execute0_lowered;
	[smem:$0x3FD2] =	sst s25  }
0xa7: {  	s6 =	sshll.u32 s26, $0x1;
	_ =	strace $0x80000049;
	[dreg:$0x1] =	wrdreg $0xFFFFFFFF  }
0xa8: {  	s28 =	simm.s32 $_size_execute0_lowered;
	s4 =	sadd.s32 s4, s6;
	[dreg:$0x0] =	wrdreg $0x0  }
0xa9: {  	s6 =	sshll.u32 s28, $0x1;
	[dreg:$0x2] =	wrdreg s4  }
0xaa: {  	[dreg:$0x3] =	wrdreg s6  }
0xab: {  	[dreg:$0x4] =	wrdreg $0xC0  }
0xac: {  	_ =	task [dreg:s8], $0x5FFFF  }
0xad: {  	[dreg:$0x1] =	wrdreg $0xFFFFFFFF  }
0xae: {  	[dreg:$0x0] =	wrdreg $0x60  }
0xaf: {  	[dreg:$0x2] =	wrdreg s2  }
0xb0: {  	[dreg:$0x3] =	wrdreg s24  }
0xb1: {  	[dreg:$0x4] =	wrdreg s18  }
0xb2: {  	[dreg:$0x5] =	wrdreg $0x9  }
0xb3: {  	_ =	task.clear_ibuf [dreg:s8], $0x6FFFF;
	_ =	strace $0x90000049  }
0xb4: {  	s29 =	simm.s32 $0x9;
	_ =	strace $0x8000004B  }
0xb5: {  	_ =	swait.ge [sflag:s29], $0x1  }
0xb6: {  	[sflag:s29] =	ssyncadd.s32 $0xFFFFFFFF  }
0xb7: {  	_ =	strace $0x9000004B  }
0xb8: {  	_ =	sfence  }
0xb9: {  	s30 =	sld [smem:$0x0];
	_ =	sdelay $0x2  }
0xba: {  	s31 =	sshll.u32 s1, $0xD;
	s1 =	sshrl.u32 s1, $0x2  }
0xbb: {  	s3 =	sand.u32 $0x4000, s31;
	s1 =	sadd.s32 s1, s30  }
0xbc: {  	s0 =	sor.u32 s3, s0;
	s1 =	sshll.u32 s1, $0x11  }
0xbd: {  	s0 =	sor.u32 s1, s0  }
0xbe: {  	s0 =	sadd.s32 $0x8F2B, s0  }
0xbf: {  	[sflag:s0] =	ssyncadd.remote.s32 $0x1  }
0xc0: {  	_ =	sfence.sel $0xFFFF  }
0xc1: {  	[dreg:$0x0] =	wrdreg $0xFFFFFFFF;
	(pc) =	sbr.abs _section_cstart, $3  }
0xc2: {  	[dreg:$0x1] =	wrdreg $0xFFFFFFFF  }
0xc3: {  	_ =	task.clear_ibuf [dreg:s8], $0x2FFFF;
	_ =	strace $0x9FFFFFFF  }
0xc4: {  	(tm) =	ssettm $0x7FFFFFFF  }
0xc5: {  	_ =	shalt  }
tec
execute0_lowered:
.L_overlay_start_1:
0x0: {  	(tag) =	ssettag $0x1  }
0x1: {  	s0 =	rddreg [dreg:$0x0]  }
0x2: {  	s1 =	rddreg [dreg:$0x1]  }
0x3: {  	s7 =	rddreg [dreg:$0x2]  }
0x4: {  	s2 =	srdreg.scid;
	s3 =	stileid.u32  }
0x5: {  	s18 =	simm.s32 $0x1;
	s20 =	simm.s32 $0x880;
	s21 =	simm.s32 $0x1080  }
0x6: {  	s22 =	simm.s32 $0x1880;
	s23 =	simm.s32 $0x2080;
	s28 =	simm.s32 $0x4080  }
0x7: {  	s29 =	simm.s32 $0x4880;
	s30 =	simm.s32 $0x5080;
	s31 =	simm.s32 $0x5880  }
0x8: {  	s10 =	simm.s32 $0x7080;
	s11 =	simm.s32 $0x7880;
	s12 =	simm.s32 $0x8080  }
0x9: {  	s13 =	simm.s32 $0x8880;
	s14 =	simm.s32 $0x9080;
	s15 =	simm.s32 $0x9880  }
0xa: {  	s16 =	simm.s32 $0xA080;
	s17 =	simm.s32 $0xA880;
	s4 =	sand.u32 $0x1, s2  }
0xb: {  	s2 =	simm.s32 $0x0;
	s3 =	sshll.u32 s3, $0x7;
	s5 =	sshll.u32 s4, $0x6  }
0xc: {  	[smem:$0x7FF] =	sst s2;
	s4 =	ssub.s32 $0x2, s4;
	s5 =	sor.u32 s5, s3  }
0xd: {  	_ =	strace $0x8000004A;
	s3 =	sadd.s32 $0x200, s1;
	s24 =	sshrl.u32 s4, $0x1  }
0xe: {  	s6 =	sshll.u32 s5, $0x7;
	s8 =	sshrl.u32 s5, $0x3;
	s9 =	ssub.s32 s4, s24  }
0xf: {  	s4 =	sadd.s32 $0x300, s1;
	s5 =	sadd.s32 $0x400, s1;
	s24 =	simm.s32 $0x2880  }
0x10: {  	s0 =	sadd.s32 s0, s6;
	s25 =	sadd.s32 s1, s8;
	s6 =	sadd.s32 $0x500, s1  }
0x11: {  	v2 =	vlaneseq.u32;
	s26 =	sadd.s32 s7, s8;
	s7 =	smax.u32 s9, $0x1;
	[dreg:$0x4] =	wrdreg s0  }
0x12: {  	vm0 =	vmmov $0xffff;
	v1 =	vshrl.u32 v2, $0x3;
	s9 =	simm.s32 $0x2;
	s8 =	simm.s32 $0xB080;
	[dreg:$0x5] =	wrdreg s25  }
0x13: {  	v0 =	vand.u32 $0x7, v2;
	v2 =	vor.u32 $0x8, v2;
	v1 =	vmul.u32 $0x8, v1;
	[dreg:$0x6] =	wrdreg s26;
	s25 =	simm.s32 $0x3080;
	s26 =	simm.s32 $0x3880  }
.LBB2_1:
0x14: {  	s19 =	rddreg [dreg:$0x4];
	s0 =	simm.s32 $0x80  }
0x15: {  	[tilespmem:s0], [sflag:$0x2] =	stream.linear.gather [hbm4b:s19+s2], $0x10000, $0x38;
	[tilespmem:$0x10080] =	vst v63  }
0x16: {  	_ =	swait.ge [sflag:s9], $0x10000  }
0x17: {  	[sflag:s9] =	ssyncset.done $0x0  }
0x18: {  	s1 =	rddreg [dreg:$0x5];
	[sflag:s9] =	ssyncadd.s32 $0xFFFF0000  }
0x19: {  	[tilespmem:s2], [sflag:$0x2] =	stream.linear.gather [hbm4b:s1+s2], $0x40, $0x38;
	[tilespmem:$0x10080] =	vst v63  }
0x1a: {  	_ =	swait.ge [sflag:s9], $0x40  }
0x1b: {  	[sflag:s9] =	ssyncset.done $0x0  }
0x1c: {  	[sflag:s9] =	ssyncadd.s32 $0xFFFFFFC0  }
0x1d: {  	v3 =	vld [tilespmem:$0x0];
	_ =	sdelay $0x4  }
0x1e: {  	v4 =	vshll.u32 v3, $0x3  }
0x1f: {  	v3 =	vand.u32 $0x7, v3;
	v4 =	vand.u32 $0xFFFFFFC0, v4  }
0x20: {  	v3 =	vor.u32 v3, v4  }
0x21: {  	v4 =	vperm.xlane v3, v0;
	_ =	sdelay $0x1  }
0x22: {  	v4 =	vadd.s32 v1, v4;
	_ =	sdelay $0x4  }
0x23: {  	[hbm4b:s3+s2] =	stream.indirect_vreg.scatter [tilespmem:s0], [sflag:$0x1], $0x80, v4, vm0, $0xb8;
	[tilespmem:$0x10080] =	vst v63  }
0x24: {  	v3 =	vperm.xlane v3, v2  }
0x25: {  	[hbm4b:s4+s2] =	stream.indirect_vreg.scatter [tilespmem:s20], [sflag:$0x1], $0x80, v4, vm0, $0xb8;
	[tilespmem:$0x10080] =	vst v63  }
0x26: {  	v3 =	vadd.s32 v1, v3  }
0x27: {  	[hbm4b:s5+s2] =	stream.indirect_vreg.scatter [tilespmem:s21], [sflag:$0x1], $0x80, v4, vm0, $0xb8;
	[tilespmem:$0x10080] =	vst v63  }
0x28: {  	_ = 	snop  }
0x29: {  	[hbm4b:s6+s2] =	stream.indirect_vreg.scatter [tilespmem:s22], [sflag:$0x1], $0x80, v4, vm0, $0xb8;
	[tilespmem:$0x10080] =	vst v63  }
0x2a: {  	_ = 	snop  }
0x2b: {  	[hbm4b:s3+s2] =	stream.indirect_vreg.scatter [tilespmem:s23], [sflag:$0x1], $0x80, v3, vm0, $0xb8;
	[tilespmem:$0x10080] =	vst v63  }
0x2c: {  	_ = 	snop  }
0x2d: {  	[hbm4b:s4+s2] =	stream.indirect_vreg.scatter [tilespmem:s24], [sflag:$0x1], $0x80, v3, vm0, $0xb8;
	[tilespmem:$0x10080] =	vst v63  }
0x2e: {  	_ = 	snop  }
0x2f: {  	[hbm4b:s5+s2] =	stream.indirect_vreg.scatter [tilespmem:s25], [sflag:$0x1], $0x80, v3, vm0, $0xb8;
	[tilespmem:$0x10080] =	vst v63  }
0x30: {  	_ = 	snop  }
0x31: {  	[hbm4b:s6+s2] =	stream.indirect_vreg.scatter [tilespmem:s26], [sflag:$0x1], $0x80, v3, vm0, $0xb8;
	[tilespmem:$0x10080] =	vst v63  }
0x32: {  	v3 =	vld [tilespmem:$0x10];
	_ =	sdelay $0x4  }
0x33: {  	v57 =	vshll.u32 v3, $0x3  }
0x34: {  	v3 =	vand.u32 $0x7, v3;
	v4 =	vand.u32 $0xFFFFFFC0, v57  }
0x35: {  	v3 =	vor.u32 v3, v4  }
0x36: {  	v4 =	vperm.xlane v3, v0;
	_ =	sdelay $0x1  }
0x37: {  	v4 =	vadd.s32 v1, v4;
	_ =	sdelay $0x4  }
0x38: {  	[hbm4b:s3+s2] =	stream.indirect_vreg.scatter [tilespmem:s28], [sflag:$0x1], $0x80, v4, vm0, $0xb8;
	[tilespmem:$0x10080] =	vst v63  }
0x39: {  	v3 =	vperm.xlane v3, v2  }
0x3a: {  	[hbm4b:s4+s2] =	stream.indirect_vreg.scatter [tilespmem:s29], [sflag:$0x1], $0x80, v4, vm0, $0xb8;
	[tilespmem:$0x10080] =	vst v63  }
0x3b: {  	v3 =	vadd.s32 v1, v3  }
0x3c: {  	[hbm4b:s5+s2] =	stream.indirect_vreg.scatter [tilespmem:s30], [sflag:$0x1], $0x80, v4, vm0, $0xb8;
	[tilespmem:$0x10080] =	vst v63  }
0x3d: {  	_ = 	snop  }
0x3e: {  	[hbm4b:s6+s2] =	stream.indirect_vreg.scatter [tilespmem:s31], [sflag:$0x1], $0x80, v4, vm0, $0xb8;
	[tilespmem:$0x10080] =	vst v63  }
0x3f: {  	s1 =	simm.s32 $0x6080  }
0x40: {  	[hbm4b:s3+s2] =	stream.indirect_vreg.scatter [tilespmem:s1], [sflag:$0x1], $0x80, v3, vm0, $0xb8;
	[tilespmem:$0x10080] =	vst v63  }
0x41: {  	s1 =	simm.s32 $0x6880  }
0x42: {  	[hbm4b:s4+s2] =	stream.indirect_vreg.scatter [tilespmem:s1], [sflag:$0x1], $0x80, v3, vm0, $0xb8;
	[tilespmem:$0x10080] =	vst v63  }
0x43: {  	_ = 	snop  }
0x44: {  	[hbm4b:s5+s2] =	stream.indirect_vreg.scatter [tilespmem:s10], [sflag:$0x1], $0x80, v3, vm0, $0xb8;
	[tilespmem:$0x10080] =	vst v63  }
0x45: {  	_ = 	snop  }
0x46: {  	[hbm4b:s6+s2] =	stream.indirect_vreg.scatter [tilespmem:s11], [sflag:$0x1], $0x80, v3, vm0, $0xb8;
	[tilespmem:$0x10080] =	vst v63  }
0x47: {  	v3 =	vld [tilespmem:$0x20];
	_ =	sdelay $0x4  }
0x48: {  	v58 =	vshll.u32 v3, $0x3  }
0x49: {  	v3 =	vand.u32 $0x7, v3;
	v4 =	vand.u32 $0xFFFFFFC0, v58  }
0x4a: {  	v3 =	vor.u32 v3, v4  }
0x4b: {  	v4 =	vperm.xlane v3, v0;
	_ =	sdelay $0x1  }
0x4c: {  	v4 =	vadd.s32 v1, v4;
	_ =	sdelay $0x4  }
0x4d: {  	[hbm4b:s3+s2] =	stream.indirect_vreg.scatter [tilespmem:s12], [sflag:$0x1], $0x80, v4, vm0, $0xb8;
	[tilespmem:$0x10080] =	vst v63  }
0x4e: {  	v3 =	vperm.xlane v3, v2  }
0x4f: {  	[hbm4b:s4+s2] =	stream.indirect_vreg.scatter [tilespmem:s13], [sflag:$0x1], $0x80, v4, vm0, $0xb8;
	[tilespmem:$0x10080] =	vst v63  }
0x50: {  	v3 =	vadd.s32 v1, v3  }
0x51: {  	[hbm4b:s5+s2] =	stream.indirect_vreg.scatter [tilespmem:s14], [sflag:$0x1], $0x80, v4, vm0, $0xb8;
	[tilespmem:$0x10080] =	vst v63  }
0x52: {  	_ = 	snop  }
0x53: {  	[hbm4b:s6+s2] =	stream.indirect_vreg.scatter [tilespmem:s15], [sflag:$0x1], $0x80, v4, vm0, $0xb8;
	[tilespmem:$0x10080] =	vst v63  }
0x54: {  	_ = 	snop  }
0x55: {  	[hbm4b:s3+s2] =	stream.indirect_vreg.scatter [tilespmem:s16], [sflag:$0x1], $0x80, v3, vm0, $0xb8;
	[tilespmem:$0x10080] =	vst v63  }
0x56: {  	_ = 	snop  }
0x57: {  	[hbm4b:s4+s2] =	stream.indirect_vreg.scatter [tilespmem:s17], [sflag:$0x1], $0x80, v3, vm0, $0xb8;
	[tilespmem:$0x10080] =	vst v63  }
0x58: {  	_ = 	snop  }
0x59: {  	[hbm4b:s5+s2] =	stream.indirect_vreg.scatter [tilespmem:s8], [sflag:$0x1], $0x80, v3, vm0, $0xb8;
	[tilespmem:$0x10080] =	vst v63  }
0x5a: {  	s19 =	simm.s32 $0xB880  }
0x5b: {  	[hbm4b:s6+s2] =	stream.indirect_vreg.scatter [tilespmem:s19], [sflag:$0x1], $0x80, v3, vm0, $0xb8;
	[tilespmem:$0x10080] =	vst v63  }
0x5c: {  	v3 =	vld [tilespmem:$0x30];
	_ =	sdelay $0x4  }
0x5d: {  	v59 =	vshll.u32 v3, $0x3  }
0x5e: {  	v3 =	vand.u32 $0x7, v3;
	v4 =	vand.u32 $0xFFFFFFC0, v59  }
0x5f: {  	v3 =	vor.u32 v3, v4  }
0x60: {  	v4 =	vperm.xlane v3, v0;
	_ =	sdelay $0x1  }
0x61: {  	v4 =	vadd.s32 v1, v4;
	_ =	sdelay $0x3  }
0x62: {  	s19 =	simm.s32 $0xC080  }
0x63: {  	[hbm4b:s3+s2] =	stream.indirect_vreg.scatter [tilespmem:s19], [sflag:$0x1], $0x80, v4, vm0, $0xb8;
	[tilespmem:$0x10080] =	vst v63  }
0x64: {  	v3 =	vperm.xlane v3, v2;
	s19 =	simm.s32 $0xC880  }
0x65: {  	[hbm4b:s4+s2] =	stream.indirect_vreg.scatter [tilespmem:s19], [sflag:$0x1], $0x80, v4, vm0, $0xb8;
	[tilespmem:$0x10080] =	vst v63  }
0x66: {  	v3 =	vadd.s32 v1, v3;
	s19 =	simm.s32 $0xD080  }
0x67: {  	[hbm4b:s5+s2] =	stream.indirect_vreg.scatter [tilespmem:s19], [sflag:$0x1], $0x80, v4, vm0, $0xb8;
	[tilespmem:$0x10080] =	vst v63  }
0x68: {  	s19 =	simm.s32 $0xD880  }
0x69: {  	[hbm4b:s6+s2] =	stream.indirect_vreg.scatter [tilespmem:s19], [sflag:$0x1], $0x80, v4, vm0, $0xb8;
	[tilespmem:$0x10080] =	vst v63  }
0x6a: {  	s19 =	simm.s32 $0xE080  }
0x6b: {  	[hbm4b:s3+s2] =	stream.indirect_vreg.scatter [tilespmem:s19], [sflag:$0x1], $0x80, v3, vm0, $0xb8;
	[tilespmem:$0x10080] =	vst v63  }
0x6c: {  	s19 =	simm.s32 $0xE880  }
0x6d: {  	[hbm4b:s4+s2] =	stream.indirect_vreg.scatter [tilespmem:s19], [sflag:$0x1], $0x80, v3, vm0, $0xb8;
	[tilespmem:$0x10080] =	vst v63  }
0x6e: {  	s19 =	simm.s32 $0xF080  }
0x6f: {  	[hbm4b:s5+s2] =	stream.indirect_vreg.scatter [tilespmem:s19], [sflag:$0x1], $0x80, v3, vm0, $0xb8;
	[tilespmem:$0x10080] =	vst v63  }
0x70: {  	s19 =	simm.s32 $0xF880  }
0x71: {  	[hbm4b:s6+s2] =	stream.indirect_vreg.scatter [tilespmem:s19], [sflag:$0x1], $0x80, v3, vm0, $0xb8;
	[tilespmem:$0x10080] =	vst v63  }
0x72: {  	_ =	swait.ge [sflag:s18], $0x10000  }
0x73: {  	[sflag:s18] =	ssyncset.done $0x0  }
0x74: {  	s19 =	rddreg [dreg:$0x6];
	[sflag:s18] =	ssyncadd.s32 $0xFFFF0000  }
0x75: {  	[tilespmem:s2], [sflag:$0x2] =	stream.linear.gather [hbm4b:s19+s2], $0x40, $0x38;
	[tilespmem:$0x10080] =	vst v63  }
0x76: {  	_ =	swait.ge [sflag:s9], $0x40  }
0x77: {  	[sflag:s9] =	ssyncset.done $0x0  }
0x78: {  	[sflag:s9] =	ssyncadd.s32 $0xFFFFFFC0  }
0x79: {  	v3 =	vld [tilespmem:$0x0];
	_ =	sdelay $0x4  }
0x7a: {  	v60 =	vshll.u32 v3, $0x3  }
0x7b: {  	v3 =	vand.u32 $0x7, v3;
	v4 =	vand.u32 $0xFFFFFFC0, v60  }
0x7c: {  	v3 =	vor.u32 v3, v4  }
0x7d: {  	v4 =	vperm.xlane v3, v0;
	_ =	sdelay $0x1  }
0x7e: {  	v4 =	vadd.s32 v1, v4;
	_ =	sdelay $0x4  }
0x7f: {  	[hbm4b:s3+s2] =	stream.indirect_vreg.scatter [tilespmem:s0], [sflag:$0x1], $0x80, v4, vm0, $0xb8;
	[tilespmem:$0x10080] =	vst v63  }
0x80: {  	v3 =	vperm.xlane v3, v2  }
0x81: {  	[hbm4b:s4+s2] =	stream.indirect_vreg.scatter [tilespmem:s20], [sflag:$0x1], $0x80, v4, vm0, $0xb8;
	[tilespmem:$0x10080] =	vst v63  }
0x82: {  	v3 =	vadd.s32 v1, v3  }
0x83: {  	[hbm4b:s5+s2] =	stream.indirect_vreg.scatter [tilespmem:s21], [sflag:$0x1], $0x80, v4, vm0, $0xb8;
	[tilespmem:$0x10080] =	vst v63  }
0x84: {  	_ = 	snop  }
0x85: {  	[hbm4b:s6+s2] =	stream.indirect_vreg.scatter [tilespmem:s22], [sflag:$0x1], $0x80, v4, vm0, $0xb8;
	[tilespmem:$0x10080] =	vst v63  }
0x86: {  	_ = 	snop  }
0x87: {  	[hbm4b:s3+s2] =	stream.indirect_vreg.scatter [tilespmem:s23], [sflag:$0x1], $0x80, v3, vm0, $0xb8;
	[tilespmem:$0x10080] =	vst v63  }
0x88: {  	_ = 	snop  }
0x89: {  	[hbm4b:s4+s2] =	stream.indirect_vreg.scatter [tilespmem:s24], [sflag:$0x1], $0x80, v3, vm0, $0xb8;
	[tilespmem:$0x10080] =	vst v63  }
0x8a: {  	_ = 	snop  }
0x8b: {  	[hbm4b:s5+s2] =	stream.indirect_vreg.scatter [tilespmem:s25], [sflag:$0x1], $0x80, v3, vm0, $0xb8;
	[tilespmem:$0x10080] =	vst v63  }
0x8c: {  	_ = 	snop  }
0x8d: {  	[hbm4b:s6+s2] =	stream.indirect_vreg.scatter [tilespmem:s26], [sflag:$0x1], $0x80, v3, vm0, $0xb8;
	[tilespmem:$0x10080] =	vst v63  }
0x8e: {  	v3 =	vld [tilespmem:$0x10];
	_ =	sdelay $0x4  }
0x8f: {  	v61 =	vshll.u32 v3, $0x3  }
0x90: {  	v3 =	vand.u32 $0x7, v3;
	v4 =	vand.u32 $0xFFFFFFC0, v61  }
0x91: {  	v3 =	vor.u32 v3, v4  }
0x92: {  	v4 =	vperm.xlane v3, v0;
	_ =	sdelay $0x1  }
0x93: {  	v4 =	vadd.s32 v1, v4;
	_ =	sdelay $0x4  }
0x94: {  	[hbm4b:s3+s2] =	stream.indirect_vreg.scatter [tilespmem:s28], [sflag:$0x1], $0x80, v4, vm0, $0xb8;
	[tilespmem:$0x10080] =	vst v63  }
0x95: {  	v3 =	vperm.xlane v3, v2  }
0x96: {  	[hbm4b:s4+s2] =	stream.indirect_vreg.scatter [tilespmem:s29], [sflag:$0x1], $0x80, v4, vm0, $0xb8;
	[tilespmem:$0x10080] =	vst v63  }
0x97: {  	v3 =	vadd.s32 v1, v3  }
0x98: {  	[hbm4b:s5+s2] =	stream.indirect_vreg.scatter [tilespmem:s30], [sflag:$0x1], $0x80, v4, vm0, $0xb8;
	[tilespmem:$0x10080] =	vst v63  }
0x99: {  	_ = 	snop  }
0x9a: {  	[hbm4b:s6+s2] =	stream.indirect_vreg.scatter [tilespmem:s31], [sflag:$0x1], $0x80, v4, vm0, $0xb8;
	[tilespmem:$0x10080] =	vst v63  }
0x9b: {  	s19 =	simm.s32 $0x6080  }
0x9c: {  	[hbm4b:s3+s2] =	stream.indirect_vreg.scatter [tilespmem:s19], [sflag:$0x1], $0x80, v3, vm0, $0xb8;
	[tilespmem:$0x10080] =	vst v63  }
0x9d: {  	_ = 	snop  }
0x9e: {  	[hbm4b:s4+s2] =	stream.indirect_vreg.scatter [tilespmem:s1], [sflag:$0x1], $0x80, v3, vm0, $0xb8;
	[tilespmem:$0x10080] =	vst v63  }
0x9f: {  	_ = 	snop  }
0xa0: {  	[hbm4b:s5+s2] =	stream.indirect_vreg.scatter [tilespmem:s10], [sflag:$0x1], $0x80, v3, vm0, $0xb8;
	[tilespmem:$0x10080] =	vst v63  }
0xa1: {  	_ = 	snop  }
0xa2: {  	[hbm4b:s6+s2] =	stream.indirect_vreg.scatter [tilespmem:s11], [sflag:$0x1], $0x80, v3, vm0, $0xb8;
	[tilespmem:$0x10080] =	vst v63  }
0xa3: {  	v3 =	vld [tilespmem:$0x20];
	_ =	sdelay $0x4  }
0xa4: {  	v62 =	vshll.u32 v3, $0x3  }
0xa5: {  	v3 =	vand.u32 $0x7, v3;
	v4 =	vand.u32 $0xFFFFFFC0, v62  }
0xa6: {  	v3 =	vor.u32 v3, v4  }
0xa7: {  	v4 =	vperm.xlane v3, v0;
	_ =	sdelay $0x1  }
0xa8: {  	v4 =	vadd.s32 v1, v4;
	_ =	sdelay $0x4  }
0xa9: {  	[hbm4b:s3+s2] =	stream.indirect_vreg.scatter [tilespmem:s12], [sflag:$0x1], $0x80, v4, vm0, $0xb8;
	[tilespmem:$0x10080] =	vst v63  }
0xaa: {  	v3 =	vperm.xlane v3, v2  }
0xab: {  	[hbm4b:s4+s2] =	stream.indirect_vreg.scatter [tilespmem:s13], [sflag:$0x1], $0x80, v4, vm0, $0xb8;
	[tilespmem:$0x10080] =	vst v63  }
0xac: {  	v3 =	vadd.s32 v1, v3  }
0xad: {  	[hbm4b:s5+s2] =	stream.indirect_vreg.scatter [tilespmem:s14], [sflag:$0x1], $0x80, v4, vm0, $0xb8;
	[tilespmem:$0x10080] =	vst v63  }
0xae: {  	_ = 	snop  }
0xaf: {  	[hbm4b:s6+s2] =	stream.indirect_vreg.scatter [tilespmem:s15], [sflag:$0x1], $0x80, v4, vm0, $0xb8;
	[tilespmem:$0x10080] =	vst v63  }
0xb0: {  	_ = 	snop  }
0xb1: {  	[hbm4b:s3+s2] =	stream.indirect_vreg.scatter [tilespmem:s16], [sflag:$0x1], $0x80, v3, vm0, $0xb8;
	[tilespmem:$0x10080] =	vst v63  }
0xb2: {  	_ = 	snop  }
0xb3: {  	[hbm4b:s4+s2] =	stream.indirect_vreg.scatter [tilespmem:s17], [sflag:$0x1], $0x80, v3, vm0, $0xb8;
	[tilespmem:$0x10080] =	vst v63  }
0xb4: {  	_ = 	snop  }
0xb5: {  	[hbm4b:s5+s2] =	stream.indirect_vreg.scatter [tilespmem:s8], [sflag:$0x1], $0x80, v3, vm0, $0xb8;
	[tilespmem:$0x10080] =	vst v63  }
0xb6: {  	s19 =	simm.s32 $0xB880  }
0xb7: {  	[hbm4b:s6+s2] =	stream.indirect_vreg.scatter [tilespmem:s19], [sflag:$0x1], $0x80, v3, vm0, $0xb8;
	[tilespmem:$0x10080] =	vst v63  }
0xb8: {  	v3 =	vld [tilespmem:$0x30];
	_ =	sdelay $0x4  }
0xb9: {  	v63 =	vshll.u32 v3, $0x3  }
0xba: {  	v3 =	vand.u32 $0x7, v3;
	v4 =	vand.u32 $0xFFFFFFC0, v63  }
0xbb: {  	v3 =	vor.u32 v3, v4  }
0xbc: {  	v4 =	vperm.xlane v3, v0;
	_ =	sdelay $0x1  }
0xbd: {  	v4 =	vadd.s32 v1, v4;
	_ =	sdelay $0x3  }
0xbe: {  	s1 =	simm.s32 $0xC080  }
0xbf: {  	[hbm4b:s3+s2] =	stream.indirect_vreg.scatter [tilespmem:s1], [sflag:$0x1], $0x80, v4, vm0, $0xb8;
	[tilespmem:$0x10080] =	vst v63  }
0xc0: {  	s19 =	simm.s32 $0xC880;
	v3 =	vperm.xlane v3, v2  }
0xc1: {  	[hbm4b:s4+s2] =	stream.indirect_vreg.scatter [tilespmem:s19], [sflag:$0x1], $0x80, v4, vm0, $0xb8;
	[tilespmem:$0x10080] =	vst v63  }
0xc2: {  	v3 =	vadd.s32 v1, v3;
	s1 =	simm.s32 $0xD080  }
0xc3: {  	[hbm4b:s5+s2] =	stream.indirect_vreg.scatter [tilespmem:s1], [sflag:$0x1], $0x80, v4, vm0, $0xb8;
	[tilespmem:$0x10080] =	vst v63  }
0xc4: {  	s19 =	simm.s32 $0xD880  }
0xc5: {  	[hbm4b:s6+s2] =	stream.indirect_vreg.scatter [tilespmem:s19], [sflag:$0x1], $0x80, v4, vm0, $0xb8;
	[tilespmem:$0x10080] =	vst v63  }
0xc6: {  	s1 =	simm.s32 $0xE080  }
0xc7: {  	[hbm4b:s3+s2] =	stream.indirect_vreg.scatter [tilespmem:s1], [sflag:$0x1], $0x80, v3, vm0, $0xb8;
	[tilespmem:$0x10080] =	vst v63  }
0xc8: {  	s19 =	simm.s32 $0xE880  }
0xc9: {  	[hbm4b:s4+s2] =	stream.indirect_vreg.scatter [tilespmem:s19], [sflag:$0x1], $0x80, v3, vm0, $0xb8;
	[tilespmem:$0x10080] =	vst v63  }
0xca: {  	p0 =	sne.s32 s7, $0x1;
	s1 =	simm.s32 $0xF080  }
0xcb: {  	[hbm4b:s5+s2] =	stream.indirect_vreg.scatter [tilespmem:s1], [sflag:$0x1], $0x80, v3, vm0, $0xb8;
	[tilespmem:$0x10080] =	vst v63  }
.Ltmp0:
0xcc: {  	s19 =	simm.s32 $0xF880;
	(pc) =	sbr.rel @p0 .LBB2_1-.Ltmp0, $4  }
0xcd: {  	[hbm4b:s6+s2] =	stream.indirect_vreg.scatter [tilespmem:s19], [sflag:$0x1], $0x80, v3, vm0, $0xb8;
	[tilespmem:$0x10080] =	vst v63  }
0xce: {  	_ =	swait.ge [sflag:s18], $0x10000  }
0xcf: {  	[sflag:s18] =	ssyncset.done $0x0  }
0xd0: {  	s7 =	sadd.s32 $0xFFFFFFFF, s7;
	[sflag:s18] =	ssyncadd.s32 $0xFFFF0000  }
0xd1: {  	_ =	sfence.sel $0x180000  }
0xd2: {  	[bflag:$0x0] =	sbarrier.arrive $0xFFFF  }
0xd3: {  	_ =	strace $0x9000004A  }
0xd4: {  	s0 =	stileid.u32;
	[bflag:$0x2] =	sbarrier.arrive $0xFFFF  }
0xd5: {  	p0 =	sne.s32 s0, $0x0;
	s0 =	rddreg [dreg:$0x3]  }
0xd6: {  	s0 =	sadd.s32 @!p0 $0x100000, s0  }
0xd7: {  	[sflag:s0] =	ssyncadd.tile.s32 @!p0 $0x1;
	_ =	shalt  }
.Lfunc_end2:
_tile_overlayer_lowered:
.L_overlay_start_2:
0xd8: {  	(tag) =	ssettag $0x2  }
0xd9: {  	s0 =	rddreg [dreg:$0x0];
	s2 =	stileid.u32  }
0xda: {  	s1 =	rddreg [dreg:$0x1];
	p0 =	sne.s32 s2, $0x0  }
0xdb: {  	s3 =	rddreg [dreg:$0x2];
	[bflag:$0x3] =	sbarrier.arrive $0xFFFF;
	s2 =	simm.s32 @!p0 $0x1C02  }
0xdc: {  	[timem:s3], [sflag:s2] =	dma.local @!p0 [hbm:s0], s1  }
0xdd: {  	s0 =	simm.s32 @!p0 $0x2  }
0xde: {  	_ =	swait.ge @!p0 [sflag:s0], s1  }
0xdf: {  	s1 =	ssub.s32 @!p0 $0x0, s1;
	[sflag:s0] =	ssyncset.done @!p0 $0x0  }
0xe0: {  	[sflag:s0] =	ssyncadd.s32 @!p0 s1  }
0xe1: {  	[bflag:$0x3] =	sbarrier.arrive $0xFFFF  }
0xe2: {  	_ =	shalt  }

</sc_bundles>
